<compile_context>
chip_gen: v7x
topology: tpu7x:2x2x1
jax: 0.10.2.dev20260603
libtpu: 0.0.44.dev20260713+nightly
codegen_flags: <defaults>
</compile_context>

<pallas_src>
import functools

import jax
import jax.numpy as jnp
from jax import lax
from jax.experimental import pallas as pl
from jax.experimental.pallas import tpu as pltpu
from jax.experimental.pallas import tpu_sc as plsc

_EPS = 1e-12


def _sc_gather(x_flat, midx, didx, tm3, tok_pad, maug, daug, kvt_flat, vrows):
    n_tok = x_flat.shape[0]
    dw = tok_pad.shape[1]
    l, l2, b = tm3.shape
    d = 64
    info = plsc.get_sparse_core_info()
    nc, ns = info.num_cores, info.num_subcores
    nw = nc * ns
    tok_pw = n_tok // nw
    tch = 64
    n_tok_ch = tok_pw // tch
    n_units = 2 * l * l2 // nw
    hd = d // 2
    nbg = b // 16
    mesh = plsc.VectorSubcoreMesh(core_axis_name="c", subcore_axis_name="s")

    @functools.partial(
        pl.kernel,
        out_type=(
            jax.ShapeDtypeStruct((n_tok, dw), jnp.float32),
            jax.ShapeDtypeStruct((l, l2, d, b), jnp.float32),
            jax.ShapeDtypeStruct((l, l2, d, b), jnp.float32),
        ),
        mesh=mesh,
        compiler_params=pltpu.CompilerParams(
            use_tc_tiling_on_sc=True, needs_layout_passes=False),
        scratch_types=[
            pltpu.VMEM((tok_pw,), jnp.int32),
            pltpu.VMEM((tok_pw,), jnp.int32),
            pltpu.VMEM((tok_pw,), jnp.int32),
            pltpu.VMEM((2 * d * vrows,), jnp.float32),
            pltpu.VMEM((b,), jnp.int32),
            pltpu.VMEM((hd, b), jnp.float32),
            pltpu.VMEM((hd, b), jnp.float32),
            [pltpu.VMEM((tch, dw), jnp.float32)] * 2,
            [pltpu.SemaphoreType.DMA] * 2,
            [pltpu.SemaphoreType.DMA] * 2,
        ],
    )
    def k(x_hbm, m_hbm, d_hbm, tm_hbm, tok_hbm, maug_hbm, daug_hbm, kvt_hbm,
          h_out, k_out, v_out,
          xi_v, mi_v, di_v, kvt_v, idx_v, kst, vst, hbufs, gsems, wsems):
        wid = lax.axis_index("s") * nc + lax.axis_index("c")
        tbase = wid * tok_pw
        pltpu.sync_copy(x_hbm.at[pl.ds(tbase, tok_pw)], xi_v)
        pltpu.sync_copy(m_hbm.at[pl.ds(tbase, tok_pw)], mi_v)
        pltpu.sync_copy(d_hbm.at[pl.ds(tbase, tok_pw)], di_v)

        def wait_write(buf, dst, sem):
            pltpu.make_async_copy(buf, dst, sem).wait()

        for c in range(n_tok_ch):
            i = c % 2
            off = c * tch
            if c >= 2:
                wait_write(hbufs[i], h_out.at[pl.ds(0, tch)], wsems[i])
            pltpu.async_copy(tok_hbm.at[xi_v.at[pl.ds(off, tch)]], hbufs[i], gsems[i]).wait()
            a = pltpu.async_copy(maug_hbm.at[mi_v.at[pl.ds(off, tch)]], hbufs[i], gsems[i], add=True)
            bb = pltpu.async_copy(daug_hbm.at[di_v.at[pl.ds(off, tch)]], hbufs[i], gsems[i], add=True)
            a.wait()
            bb.wait()
            pltpu.async_copy(hbufs[i], h_out.at[pl.ds(tbase + off, tch)], wsems[i])
        pltpu.sync_copy(kvt_hbm, kvt_v)
        for c in range(max(0, n_tok_ch - 2), n_tok_ch):
            wait_write(hbufs[c % 2], h_out.at[pl.ds(0, tch)], wsems[c % 2])

        gs = 8

        def fill(st, tab):
            def _bg(bg, carry2):
                col = bg * 16
                idx16 = idx_v[pl.ds(col, 16)]

                def loads(g):
                    return [
                        plsc.load_gather(
                            tab.at[pl.ds((g * gs + e) * vrows, vrows)], [idx16])
                        for e in range(gs)
                    ]

                def stores(vals, g):
                    for e in range(gs):
                        st[g * gs + e, pl.ds(col, 16)] = vals[e]

                prev = loads(0)
                for g in range(1, hd // gs):
                    cur = loads(g)
                    stores(prev, g - 1)
                    prev = cur
                stores(prev, hd // gs - 1)
                return carry2

            lax.fori_loop(0, nbg, _bg, 0)

        def unit_body(t, carry):
            u = wid * n_units + t
            slab = u // 2
            li = slab // l2
            ji = slab % l2
            d0 = (u % 2) * hd

            @pl.when(jnp.logical_or(t == 0, u % 2 == 0))
            def _():
                pltpu.sync_copy(tm_hbm.at[li, ji], idx_v)
            ktab = kvt_v.at[pl.ds(d0 * vrows, hd * vrows)]
            vtab = kvt_v.at[pl.ds((d + d0) * vrows, hd * vrows)]

            @pl.when(t > 0)
            def _():
                wait_write(kst, k_out.at[0, 0, pl.ds(0, hd)], wsems[0])

            fill(kst, ktab)
            pltpu.async_copy(kst, k_out.at[li, ji, pl.ds(d0, hd)], wsems[0])

            @pl.when(t > 0)
            def _():
                wait_write(vst, v_out.at[0, 0, pl.ds(0, hd)], wsems[1])

            fill(vst, vtab)
            pltpu.async_copy(vst, v_out.at[li, ji, pl.ds(d0, hd)], wsems[1])
            return carry

        lax.fori_loop(0, n_units, unit_body, 0)
        wait_write(kst, k_out.at[0, 0, pl.ds(0, hd)], wsems[0])
        wait_write(vst, v_out.at[0, 0, pl.ds(0, hd)], wsems[1])

    return k(x_flat, midx, didx, tm3, tok_pad, maug, daug, kvt_flat)


def _layernorm_tc(h, gamma, beta, l):
    n, dw = h.shape
    d = gamma.shape[0]
    blk = n // l

    def body(h_ref, g_ref, b_ref, o_ref):
        hv = h_ref[:, :d]
        u = jnp.mean(hv, axis=-1, keepdims=True)
        c = hv - u
        s = jnp.mean(c * c, axis=-1, keepdims=True)
        res = g_ref[...] * (c * lax.rsqrt(s + _EPS)) + b_ref[...]
        o_ref[0] = jnp.transpose(res, (1, 0))

    return pl.pallas_call(
        body,
        grid=(l,),
        in_specs=[
            pl.BlockSpec((blk, dw), lambda i: (i, 0)),
            pl.BlockSpec((1, d), lambda i: (0, 0)),
            pl.BlockSpec((1, d), lambda i: (0, 0)),
        ],
        out_specs=pl.BlockSpec((1, d, blk), lambda i: (i, 0, 0)),
        out_shape=jax.ShapeDtypeStruct((l, d, blk), jnp.float32),
    )(h, gamma.reshape(1, d), beta.reshape(1, d))


def kernel(x, stamp, time_matrix, tok_table, weekday_table, day_table, month_table, K_table, V_table, gamma, beta):
    b, l = x.shape
    d = tok_table.shape[1]
    dw = 2 * d

    x_flat = x.T.reshape(-1)
    tm3 = jnp.transpose(time_matrix, (1, 2, 0))
    vrows = 264
    kvt = jnp.concatenate([K_table.T, V_table.T], axis=0)
    kvt = jnp.pad(kvt, ((0, 0), (0, vrows - kvt.shape[1]))).reshape(-1)
    m_sent = month_table.shape[0]
    d_sent = day_table.shape[0]
    midx = jnp.concatenate(
        [jnp.full((1, b), m_sent, jnp.int32), stamp[:, :, 0].T], axis=0).reshape(-1)
    didx = jnp.concatenate(
        [jnp.full((1, b), d_sent, jnp.int32), stamp[:, :, 1].T], axis=0).reshape(-1)
    tok_pad = jnp.pad(tok_table, ((0, 0), (0, dw - d)))
    maug = jnp.pad(month_table, ((0, 3), (0, dw - d)))
    daug = jnp.pad(day_table, ((0, 8), (0, dw - d)))

    h, kout, vout = _sc_gather(x_flat, midx, didx, tm3, tok_pad,
                               maug, daug, kvt, vrows)
    out = _layernorm_tc(h, gamma, beta, l)
    kf = jnp.transpose(kout, (3, 0, 1, 2))
    vf = jnp.transpose(vout, (3, 0, 1, 2))
    return (jnp.transpose(out, (2, 0, 1)), kf, vf)

# --- scband reference (transcript-rebuilt; emitter-appended) ---
"""Pipeline reference for scband-embeddings-43636867727560 (READ-ONLY COPY).

The authoritative reference and input builder live on the scoring server;
editing this copy changes nothing except your own understanding.
"""

import jax, jax.numpy as jnp
import numpy as np

B, L, D = 1024, 20, 64
VOCAB = 100000
TIME_SPAN = 256
EPS = 1e-12


def setup_inputs(seed: int = 0) -> dict:
    key = jax.random.key(seed)
    ks = jax.random.split(key, 12)
    x = jax.random.randint(ks[0], (B, L), 0, VOCAB, dtype=jnp.int32)
    stamp = jax.random.randint(ks[1], (B, L - 1, 3), 0, 8, dtype=jnp.int32)
    time_matrix = jax.random.randint(ks[2], (B, L, L), 0, TIME_SPAN + 1, dtype=jnp.int32)
    tok_table = jax.random.normal(ks[3], (VOCAB, D), dtype=jnp.float32) * 0.02
    weekday_table = jax.random.normal(ks[4], (8, D), dtype=jnp.float32) * 0.02
    day_table = jax.random.normal(ks[5], (32, D), dtype=jnp.float32) * 0.02
    month_table = jax.random.normal(ks[6], (13, D), dtype=jnp.float32) * 0.02
    K_table = jax.random.normal(ks[7], (TIME_SPAN + 1, D), dtype=jnp.float32) * 0.02
    V_table = jax.random.normal(ks[8], (TIME_SPAN + 1, D), dtype=jnp.float32) * 0.02
    gamma = jnp.ones((D,), dtype=jnp.float32)
    beta = jnp.zeros((D,), dtype=jnp.float32)
    return {
        "x": x, "stamp": stamp, "time_matrix": time_matrix,
        "tok_table": tok_table, "weekday_table": weekday_table,
        "day_table": day_table, "month_table": month_table,
        "K_table": K_table, "V_table": V_table,
        "gamma": gamma, "beta": beta,
    }


def reference(x, stamp, time_matrix, tok_table, weekday_table, day_table, month_table, K_table, V_table, gamma, beta):
    # TemporalEmbedding: weekday embed is computed in the original forward but not used in the sum
    weekday_x = jnp.take(weekday_table, stamp[:, :, 2], axis=0)
    day_x = jnp.take(day_table, stamp[:, :, 1], axis=0)
    month_x = jnp.take(month_table, stamp[:, :, 0], axis=0)
    t_e = month_x + day_x  # [B, L-1, D]
    zero = jnp.zeros((t_e.shape[0], 1, t_e.shape[2]), dtype=t_e.dtype)
    t_e = jnp.concatenate([zero, t_e], axis=1)  # [B, L, D]
    h = jnp.take(tok_table, x, axis=0) + t_e
    # TF-style LayerNorm (epsilon inside sqrt)
    u = jnp.mean(h, axis=-1, keepdims=True)
    s = jnp.mean((h - u) ** 2, axis=-1, keepdims=True)
    hn = (h - u) / jnp.sqrt(s + EPS)
    out = gamma * hn + beta
    # interval embeddings (dropout p=0.0 -> identity)
    t_interval_K = jnp.take(K_table, time_matrix, axis=0)
    t_interval_V = jnp.take(V_table, time_matrix, axis=0)
    return (out, t_interval_K, t_interval_V)

if __name__ == "__main__":
    import jax
    _d = setup_inputs()
    print(jax.jit(kernel)(*tuple(_d.values())))

</pallas_src>

<mosaic_0001>
#map = affine_map<(d0, d1) -> (0)>
#map1 = affine_map<(d0, d1) -> (0, 0, 0)>
#map2 = affine_map<(d0, d1) -> (0, 0)>
#map3 = affine_map<(d0, d1) -> (0, 0, 0, 0)>
module attributes {stable_mosaic.version = 14 : i64} {
  func.func @k(%arg0: i32, %arg1: i32, %arg2: memref<20480xi32, #tpu.memory_space<hbm>>, %arg3: memref<20480xi32, #tpu.memory_space<hbm>>, %arg4: memref<20480xi32, #tpu.memory_space<hbm>>, %arg5: memref<20x20x1024xi32, #tpu.memory_space<hbm>>, %arg6: memref<100000x128xf32, #tpu.memory_space<hbm>>, %arg7: memref<16x128xf32, #tpu.memory_space<hbm>>, %arg8: memref<40x128xf32, #tpu.memory_space<hbm>>, %arg9: memref<33792xf32, #tpu.memory_space<hbm>>, %arg10: memref<20480x128xf32, #tpu.memory_space<hbm>>, %arg11: memref<20x20x64x1024xf32, #tpu.memory_space<hbm>>, %arg12: memref<20x20x64x1024xf32, #tpu.memory_space<hbm>>, %arg13: memref<640xi32, #tpu.memory_space<vmem>>, %arg14: memref<640xi32, #tpu.memory_space<vmem>>, %arg15: memref<640xi32, #tpu.memory_space<vmem>>, %arg16: memref<33792xf32, #tpu.memory_space<vmem>>, %arg17: memref<1024xi32, #tpu.memory_space<vmem>>, %arg18: memref<32x1024xf32, #tpu.memory_space<vmem>>, %arg19: memref<32x1024xf32, #tpu.memory_space<vmem>>, %arg20: memref<64x128xf32, #tpu.memory_space<vmem>>, %arg21: memref<64x128xf32, #tpu.memory_space<vmem>>, %arg22: memref<!tpu.dma_semaphore, #tpu.memory_space<semaphore_mem>>, %arg23: memref<!tpu.dma_semaphore, #tpu.memory_space<semaphore_mem>>, %arg24: memref<!tpu.dma_semaphore, #tpu.memory_space<semaphore_mem>>, %arg25: memref<!tpu.dma_semaphore, #tpu.memory_space<semaphore_mem>>) attributes {dimension_semantics = [#tpu.dimension_semantics<core_parallel>, #tpu.dimension_semantics<subcore_parallel>], iteration_bounds = array<i64: 2, 16>, scalar_prefetch = 0 : i64, scratch_operands = 13 : i64, tpu.core_type = #tpu.core_type<sc_vector_subcore>, window_params = [{transform_indices = #map}, {transform_indices = #map}, {transform_indices = #map}, {transform_indices = #map1}, {transform_indices = #map2}, {transform_indices = #map2}, {transform_indices = #map2}, {transform_indices = #map}, {transform_indices = #map2}, {transform_indices = #map3}, {transform_indices = #map3}]} {
    %mul3A = arith.constant 2 : i32
    %mul3A_0 = arith.muli %arg1, %mul3A : i32
    %add3A = arith.addi %mul3A_0, %arg0 : i32
    %mul3A_1 = arith.constant 640 : i32
    %mul3A_2 = arith.muli %add3A, %mul3A_1 : i32
    "tpu.region"() ({
      %run_scoped3A = tpu.sem_alloc : memref<!tpu.dma_semaphore, #tpu.memory_space<semaphore_mem>>
      %dma_start3A_446 = tpu.memref_slice %arg2[%mul3A_2] : memref<20480xi32, #tpu.memory_space<hbm>> -> memref<640xi32, #tpu.memory_space<hbm>>
      %dma_start3A_447 = tpu.memref_slice %arg2[%mul3A_2] : memref<20480xi32, #tpu.memory_space<hbm>> -> memref<640xi32, #tpu.memory_space<hbm>>
      tpu.enqueue_dma source(%dma_start3A_447 : memref<640xi32, #tpu.memory_space<hbm>>) target(%arg13 : memref<640xi32, #tpu.memory_space<vmem>>) target_semaphore(%run_scoped3A : memref<!tpu.dma_semaphore, #tpu.memory_space<semaphore_mem>>)
      %dma_wait3A_448 = tpu.memref_slice %arg2[%mul3A_2] : memref<20480xi32, #tpu.memory_space<hbm>> -> memref<640xi32, #tpu.memory_space<hbm>>
      %dma_wait3A_449 = tpu.memref_slice %arg2[%mul3A_2] : memref<20480xi32, #tpu.memory_space<hbm>> -> memref<640xi32, #tpu.memory_space<hbm>>
      tpu.wait_dma2 semaphore(%run_scoped3A : memref<!tpu.dma_semaphore, #tpu.memory_space<semaphore_mem>>) src(%dma_wait3A_449 : memref<640xi32, #tpu.memory_space<hbm>>) dst(%arg13 : memref<640xi32, #tpu.memory_space<vmem>>)
      tpu.yield
    }) : () -> ()
    "tpu.region"() ({
      %run_scoped3A = tpu.sem_alloc : memref<!tpu.dma_semaphore, #tpu.memory_space<semaphore_mem>>
      %dma_start3A_446 = tpu.memref_slice %arg3[%mul3A_2] : memref<20480xi32, #tpu.memory_space<hbm>> -> memref<640xi32, #tpu.memory_space<hbm>>
      %dma_start3A_447 = tpu.memref_slice %arg3[%mul3A_2] : memref<20480xi32, #tpu.memory_space<hbm>> -> memref<640xi32, #tpu.memory_space<hbm>>
      tpu.enqueue_dma source(%dma_start3A_447 : memref<640xi32, #tpu.memory_space<hbm>>) target(%arg14 : memref<640xi32, #tpu.memory_space<vmem>>) target_semaphore(%run_scoped3A : memref<!tpu.dma_semaphore, #tpu.memory_space<semaphore_mem>>)
      %dma_wait3A_448 = tpu.memref_slice %arg3[%mul3A_2] : memref<20480xi32, #tpu.memory_space<hbm>> -> memref<640xi32, #tpu.memory_space<hbm>>
      %dma_wait3A_449 = tpu.memref_slice %arg3[%mul3A_2] : memref<20480xi32, #tpu.memory_space<hbm>> -> memref<640xi32, #tpu.memory_space<hbm>>
      tpu.wait_dma2 semaphore(%run_scoped3A : memref<!tpu.dma_semaphore, #tpu.memory_space<semaphore_mem>>) src(%dma_wait3A_449 : memref<640xi32, #tpu.memory_space<hbm>>) dst(%arg14 : memref<640xi32, #tpu.memory_space<vmem>>)
      tpu.yield
    }) : () -> ()
    "tpu.region"() ({
      %run_scoped3A = tpu.sem_alloc : memref<!tpu.dma_semaphore, #tpu.memory_space<semaphore_mem>>
      %dma_start3A_446 = tpu.memref_slice %arg4[%mul3A_2] : memref<20480xi32, #tpu.memory_space<hbm>> -> memref<640xi32, #tpu.memory_space<hbm>>
      %dma_start3A_447 = tpu.memref_slice %arg4[%mul3A_2] : memref<20480xi32, #tpu.memory_space<hbm>> -> memref<640xi32, #tpu.memory_space<hbm>>
      tpu.enqueue_dma source(%dma_start3A_447 : memref<640xi32, #tpu.memory_space<hbm>>) target(%arg15 : memref<640xi32, #tpu.memory_space<vmem>>) target_semaphore(%run_scoped3A : memref<!tpu.dma_semaphore, #tpu.memory_space<semaphore_mem>>)
      %dma_wait3A_448 = tpu.memref_slice %arg4[%mul3A_2] : memref<20480xi32, #tpu.memory_space<hbm>> -> memref<640xi32, #tpu.memory_space<hbm>>
      %dma_wait3A_449 = tpu.memref_slice %arg4[%mul3A_2] : memref<20480xi32, #tpu.memory_space<hbm>> -> memref<640xi32, #tpu.memory_space<hbm>>
      tpu.wait_dma2 semaphore(%run_scoped3A : memref<!tpu.dma_semaphore, #tpu.memory_space<semaphore_mem>>) src(%dma_wait3A_449 : memref<640xi32, #tpu.memory_space<hbm>>) dst(%arg15 : memref<640xi32, #tpu.memory_space<vmem>>)
      tpu.yield
    }) : () -> ()
    %dma_start3A = arith.constant 0 : i32
    %dma_start3A_3 = tpu.memref_slice %arg13[%dma_start3A] : memref<640xi32, #tpu.memory_space<vmem>> -> memref<64xi32, #tpu.memory_space<vmem>>
    %dma_start3A_4 = arith.constant 0 : i32
    %dma_start3A_5 = arith.constant 0 : i32
    %dma_start3A_6 = tpu.memref_slice %arg6[%dma_start3A_4, %dma_start3A_5] : memref<100000x128xf32, #tpu.memory_space<hbm>> -> memref<100000x128xf32, #tpu.memory_space<hbm>>
    tpu.enqueue_indirect_dma source(%dma_start3A_6 : memref<100000x128xf32, #tpu.memory_space<hbm>>) target(%arg20 : memref<64x128xf32, #tpu.memory_space<vmem>>) offsets(%dma_start3A_3 : memref<64xi32, #tpu.memory_space<vmem>>) semaphore(%arg22 : memref<!tpu.dma_semaphore, #tpu.memory_space<semaphore_mem>>)
    %dma_wait3A = arith.constant 0 : i32
    %dma_wait3A_7 = tpu.memref_slice %arg13[%dma_wait3A] : memref<640xi32, #tpu.memory_space<vmem>> -> memref<64xi32, #tpu.memory_space<vmem>>
    %dma_wait3A_8 = arith.constant 0 : i32
    %dma_wait3A_9 = arith.constant 0 : i32
    %dma_wait3A_10 = tpu.memref_slice %arg6[%dma_wait3A_8, %dma_wait3A_9] : memref<100000x128xf32, #tpu.memory_space<hbm>> -> memref<100000x128xf32, #tpu.memory_space<hbm>>
    tpu.wait_indirect_dma semaphore(%arg22 : memref<!tpu.dma_semaphore, #tpu.memory_space<semaphore_mem>>) src(%dma_wait3A_10 : memref<100000x128xf32, #tpu.memory_space<hbm>>) dst(%arg20 : memref<64x128xf32, #tpu.memory_space<vmem>>)
    %dma_start3A_11 = arith.constant 0 : i32
    %dma_start3A_12 = tpu.memref_slice %arg14[%dma_start3A_11] : memref<640xi32, #tpu.memory_space<vmem>> -> memref<64xi32, #tpu.memory_space<vmem>>
    %dma_start3A_13 = arith.constant 0 : i32
    %dma_start3A_14 = arith.constant 0 : i32
    %dma_start3A_15 = tpu.memref_slice %arg7[%dma_start3A_13, %dma_start3A_14] : memref<16x128xf32, #tpu.memory_space<hbm>> -> memref<16x128xf32, #tpu.memory_space<hbm>>
    tpu.enqueue_indirect_dma source(%dma_start3A_15 : memref<16x128xf32, #tpu.memory_space<hbm>>) target(%arg20 : memref<64x128xf32, #tpu.memory_space<vmem>>) offsets(%dma_start3A_12 : memref<64xi32, #tpu.memory_space<vmem>>) semaphore(%arg22 : memref<!tpu.dma_semaphore, #tpu.memory_space<semaphore_mem>>) {add = true}
    %dma_start3A_16 = arith.constant 0 : i32
    %dma_start3A_17 = tpu.memref_slice %arg15[%dma_start3A_16] : memref<640xi32, #tpu.memory_space<vmem>> -> memref<64xi32, #tpu.memory_space<vmem>>
    %dma_start3A_18 = arith.constant 0 : i32
    %dma_start3A_19 = arith.constant 0 : i32
    %dma_start3A_20 = tpu.memref_slice %arg8[%dma_start3A_18, %dma_start3A_19] : memref<40x128xf32, #tpu.memory_space<hbm>> -> memref<40x128xf32, #tpu.memory_space<hbm>>
    tpu.enqueue_indirect_dma source(%dma_start3A_20 : memref<40x128xf32, #tpu.memory_space<hbm>>) target(%arg20 : memref<64x128xf32, #tpu.memory_space<vmem>>) offsets(%dma_start3A_17 : memref<64xi32, #tpu.memory_space<vmem>>) semaphore(%arg22 : memref<!tpu.dma_semaphore, #tpu.memory_space<semaphore_mem>>) {add = true}
    %dma_wait3A_21 = arith.constant 0 : i32
    %dma_wait3A_22 = tpu.memref_slice %arg14[%dma_wait3A_21] : memref<640xi32, #tpu.memory_space<vmem>> -> memref<64xi32, #tpu.memory_space<vmem>>
    %dma_wait3A_23 = arith.constant 0 : i32
    %dma_wait3A_24 = arith.constant 0 : i32
    %dma_wait3A_25 = tpu.memref_slice %arg7[%dma_wait3A_23, %dma_wait3A_24] : memref<16x128xf32, #tpu.memory_space<hbm>> -> memref<16x128xf32, #tpu.memory_space<hbm>>
    tpu.wait_indirect_dma semaphore(%arg22 : memref<!tpu.dma_semaphore, #tpu.memory_space<semaphore_mem>>) src(%dma_wait3A_25 : memref<16x128xf32, #tpu.memory_space<hbm>>) dst(%arg20 : memref<64x128xf32, #tpu.memory_space<vmem>>)
    %dma_wait3A_26 = arith.constant 0 : i32
    %dma_wait3A_27 = tpu.memref_slice %arg15[%dma_wait3A_26] : memref<640xi32, #tpu.memory_space<vmem>> -> memref<64xi32, #tpu.memory_space<vmem>>
    %dma_wait3A_28 = arith.constant 0 : i32
    %dma_wait3A_29 = arith.constant 0 : i32
    %dma_wait3A_30 = tpu.memref_slice %arg8[%dma_wait3A_28, %dma_wait3A_29] : memref<40x128xf32, #tpu.memory_space<hbm>> -> memref<40x128xf32, #tpu.memory_space<hbm>>
    tpu.wait_indirect_dma semaphore(%arg22 : memref<!tpu.dma_semaphore, #tpu.memory_space<semaphore_mem>>) src(%dma_wait3A_30 : memref<40x128xf32, #tpu.memory_space<hbm>>) dst(%arg20 : memref<64x128xf32, #tpu.memory_space<vmem>>)
    %add3A_31 = arith.constant 0 : i32
    %add3A_32 = arith.addi %mul3A_2, %add3A_31 : i32
    %dma_start3A_33 = arith.constant 0 : i32
    %dma_start3A_34 = tpu.memref_slice %arg10[%add3A_32, %dma_start3A_33] : memref<20480x128xf32, #tpu.memory_space<hbm>> -> memref<64x128xf32, #tpu.memory_space<hbm>>
    %dma_start3A_35 = arith.constant 0 : i32
    %dma_start3A_36 = tpu.memref_slice %arg10[%add3A_32, %dma_start3A_35] : memref<20480x128xf32, #tpu.memory_space<hbm>> -> memref<64x128xf32, #tpu.memory_space<hbm>>
    tpu.enqueue_dma source(%arg20 : memref<64x128xf32, #tpu.memory_space<vmem>>) target(%dma_start3A_36 : memref<64x128xf32, #tpu.memory_space<hbm>>) target_semaphore(%arg24 : memref<!tpu.dma_semaphore, #tpu.memory_space<semaphore_mem>>)
    %dma_start3A_37 = arith.constant 64 : i32
    %dma_start3A_38 = tpu.memref_slice %arg13[%dma_start3A_37] : memref<640xi32, #tpu.memory_space<vmem>> -> memref<64xi32, #tpu.memory_space<vmem>>
    %dma_start3A_39 = arith.constant 0 : i32
    %dma_start3A_40 = arith.constant 0 : i32
    %dma_start3A_41 = tpu.memref_slice %arg6[%dma_start3A_39, %dma_start3A_40] : memref<100000x128xf32, #tpu.memory_space<hbm>> -> memref<100000x128xf32, #tpu.memory_space<hbm>>
    tpu.enqueue_indirect_dma source(%dma_start3A_41 : memref<100000x128xf32, #tpu.memory_space<hbm>>) target(%arg21 : memref<64x128xf32, #tpu.memory_space<vmem>>) offsets(%dma_start3A_38 : memref<64xi32, #tpu.memory_space<vmem>>) semaphore(%arg23 : memref<!tpu.dma_semaphore, #tpu.memory_space<semaphore_mem>>)
    %dma_wait3A_42 = arith.constant 64 : i32
    %dma_wait3A_43 = tpu.memref_slice %arg13[%dma_wait3A_42] : memref<640xi32, #tpu.memory_space<vmem>> -> memref<64xi32, #tpu.memory_space<vmem>>
    %dma_wait3A_44 = arith.constant 0 : i32
    %dma_wait3A_45 = arith.constant 0 : i32
    %dma_wait3A_46 = tpu.memref_slice %arg6[%dma_wait3A_44, %dma_wait3A_45] : memref<100000x128xf32, #tpu.memory_space<hbm>> -> memref<100000x128xf32, #tpu.memory_space<hbm>>
    tpu.wait_indirect_dma semaphore(%arg23 : memref<!tpu.dma_semaphore, #tpu.memory_space<semaphore_mem>>) src(%dma_wait3A_46 : memref<100000x128xf32, #tpu.memory_space<hbm>>) dst(%arg21 : memref<64x128xf32, #tpu.memory_space<vmem>>)
    %dma_start3A_47 = arith.constant 64 : i32
    %dma_start3A_48 = tpu.memref_slice %arg14[%dma_start3A_47] : memref<640xi32, #tpu.memory_space<vmem>> -> memref<64xi32, #tpu.memory_space<vmem>>
    %dma_start3A_49 = arith.constant 0 : i32
    %dma_start3A_50 = arith.constant 0 : i32
    %dma_start3A_51 = tpu.memref_slice %arg7[%dma_start3A_49, %dma_start3A_50] : memref<16x128xf32, #tpu.memory_space<hbm>> -> memref<16x128xf32, #tpu.memory_space<hbm>>
    tpu.enqueue_indirect_dma source(%dma_start3A_51 : memref<16x128xf32, #tpu.memory_space<hbm>>) target(%arg21 : memref<64x128xf32, #tpu.memory_space<vmem>>) offsets(%dma_start3A_48 : memref<64xi32, #tpu.memory_space<vmem>>) semaphore(%arg23 : memref<!tpu.dma_semaphore, #tpu.memory_space<semaphore_mem>>) {add = true}
    %dma_start3A_52 = arith.constant 64 : i32
    %dma_start3A_53 = tpu.memref_slice %arg15[%dma_start3A_52] : memref<640xi32, #tpu.memory_space<vmem>> -> memref<64xi32, #tpu.memory_space<vmem>>
    %dma_start3A_54 = arith.constant 0 : i32
    %dma_start3A_55 = arith.constant 0 : i32
    %dma_start3A_56 = tpu.memref_slice %arg8[%dma_start3A_54, %dma_start3A_55] : memref<40x128xf32, #tpu.memory_space<hbm>> -> memref<40x128xf32, #tpu.memory_space<hbm>>
    tpu.enqueue_indirect_dma source(%dma_start3A_56 : memref<40x128xf32, #tpu.memory_space<hbm>>) target(%arg21 : memref<64x128xf32, #tpu.memory_space<vmem>>) offsets(%dma_start3A_53 : memref<64xi32, #tpu.memory_space<vmem>>) semaphore(%arg23 : memref<!tpu.dma_semaphore, #tpu.memory_space<semaphore_mem>>) {add = true}
    %dma_wait3A_57 = arith.constant 64 : i32
    %dma_wait3A_58 = tpu.memref_slice %arg14[%dma_wait3A_57] : memref<640xi32, #tpu.memory_space<vmem>> -> memref<64xi32, #tpu.memory_space<vmem>>
    %dma_wait3A_59 = arith.constant 0 : i32
    %dma_wait3A_60 = arith.constant 0 : i32
    %dma_wait3A_61 = tpu.memref_slice %arg7[%dma_wait3A_59, %dma_wait3A_60] : memref<16x128xf32, #tpu.memory_space<hbm>> -> memref<16x128xf32, #tpu.memory_space<hbm>>
    tpu.wait_indirect_dma semaphore(%arg23 : memref<!tpu.dma_semaphore, #tpu.memory_space<semaphore_mem>>) src(%dma_wait3A_61 : memref<16x128xf32, #tpu.memory_space<hbm>>) dst(%arg21 : memref<64x128xf32, #tpu.memory_space<vmem>>)
    %dma_wait3A_62 = arith.constant 64 : i32
    %dma_wait3A_63 = tpu.memref_slice %arg15[%dma_wait3A_62] : memref<640xi32, #tpu.memory_space<vmem>> -> memref<64xi32, #tpu.memory_space<vmem>>
    %dma_wait3A_64 = arith.constant 0 : i32
    %dma_wait3A_65 = arith.constant 0 : i32
    %dma_wait3A_66 = tpu.memref_slice %arg8[%dma_wait3A_64, %dma_wait3A_65] : memref<40x128xf32, #tpu.memory_space<hbm>> -> memref<40x128xf32, #tpu.memory_space<hbm>>
    tpu.wait_indirect_dma semaphore(%arg23 : memref<!tpu.dma_semaphore, #tpu.memory_space<semaphore_mem>>) src(%dma_wait3A_66 : memref<40x128xf32, #tpu.memory_space<hbm>>) dst(%arg21 : memref<64x128xf32, #tpu.memory_space<vmem>>)
    %add3A_67 = arith.constant 64 : i32
    %add3A_68 = arith.addi %mul3A_2, %add3A_67 : i32
    %dma_start3A_69 = arith.constant 0 : i32
    %dma_start3A_70 = tpu.memref_slice %arg10[%add3A_68, %dma_start3A_69] : memref<20480x128xf32, #tpu.memory_space<hbm>> -> memref<64x128xf32, #tpu.memory_space<hbm>>
    %dma_start3A_71 = arith.constant 0 : i32
    %dma_start3A_72 = tpu.memref_slice %arg10[%add3A_68, %dma_start3A_71] : memref<20480x128xf32, #tpu.memory_space<hbm>> -> memref<64x128xf32, #tpu.memory_space<hbm>>
    tpu.enqueue_dma source(%arg21 : memref<64x128xf32, #tpu.memory_space<vmem>>) target(%dma_start3A_72 : memref<64x128xf32, #tpu.memory_space<hbm>>) target_semaphore(%arg25 : memref<!tpu.dma_semaphore, #tpu.memory_space<semaphore_mem>>)
    %dma_wait3A_73 = arith.constant 0 : i32
    %dma_wait3A_74 = arith.constant 0 : i32
    %dma_wait3A_75 = tpu.memref_slice %arg10[%dma_wait3A_73, %dma_wait3A_74] : memref<20480x128xf32, #tpu.memory_space<hbm>> -> memref<64x128xf32, #tpu.memory_space<hbm>>
    %dma_wait3A_76 = arith.constant 0 : i32
    %dma_wait3A_77 = arith.constant 0 : i32
    %dma_wait3A_78 = tpu.memref_slice %arg10[%dma_wait3A_76, %dma_wait3A_77] : memref<20480x128xf32, #tpu.memory_space<hbm>> -> memref<64x128xf32, #tpu.memory_space<hbm>>
    tpu.wait_dma2 semaphore(%arg24 : memref<!tpu.dma_semaphore, #tpu.memory_space<semaphore_mem>>) src(%arg20 : memref<64x128xf32, #tpu.memory_space<vmem>>) dst(%dma_wait3A_78 : memref<64x128xf32, #tpu.memory_space<hbm>>)
    %dma_start3A_79 = arith.constant 128 : i32
    %dma_start3A_80 = tpu.memref_slice %arg13[%dma_start3A_79] : memref<640xi32, #tpu.memory_space<vmem>> -> memref<64xi32, #tpu.memory_space<vmem>>
    %dma_start3A_81 = arith.constant 0 : i32
    %dma_start3A_82 = arith.constant 0 : i32
    %dma_start3A_83 = tpu.memref_slice %arg6[%dma_start3A_81, %dma_start3A_82] : memref<100000x128xf32, #tpu.memory_space<hbm>> -> memref<100000x128xf32, #tpu.memory_space<hbm>>
    tpu.enqueue_indirect_dma source(%dma_start3A_83 : memref<100000x128xf32, #tpu.memory_space<hbm>>) target(%arg20 : memref<64x128xf32, #tpu.memory_space<vmem>>) offsets(%dma_start3A_80 : memref<64xi32, #tpu.memory_space<vmem>>) semaphore(%arg22 : memref<!tpu.dma_semaphore, #tpu.memory_space<semaphore_mem>>)
    %dma_wait3A_84 = arith.constant 128 : i32
    %dma_wait3A_85 = tpu.memref_slice %arg13[%dma_wait3A_84] : memref<640xi32, #tpu.memory_space<vmem>> -> memref<64xi32, #tpu.memory_space<vmem>>
    %dma_wait3A_86 = arith.constant 0 : i32
    %dma_wait3A_87 = arith.constant 0 : i32
    %dma_wait3A_88 = tpu.memref_slice %arg6[%dma_wait3A_86, %dma_wait3A_87] : memref<100000x128xf32, #tpu.memory_space<hbm>> -> memref<100000x128xf32, #tpu.memory_space<hbm>>
    tpu.wait_indirect_dma semaphore(%arg22 : memref<!tpu.dma_semaphore, #tpu.memory_space<semaphore_mem>>) src(%dma_wait3A_88 : memref<100000x128xf32, #tpu.memory_space<hbm>>) dst(%arg20 : memref<64x128xf32, #tpu.memory_space<vmem>>)
    %dma_start3A_89 = arith.constant 128 : i32
    %dma_start3A_90 = tpu.memref_slice %arg14[%dma_start3A_89] : memref<640xi32, #tpu.memory_space<vmem>> -> memref<64xi32, #tpu.memory_space<vmem>>
    %dma_start3A_91 = arith.constant 0 : i32
    %dma_start3A_92 = arith.constant 0 : i32
    %dma_start3A_93 = tpu.memref_slice %arg7[%dma_start3A_91, %dma_start3A_92] : memref<16x128xf32, #tpu.memory_space<hbm>> -> memref<16x128xf32, #tpu.memory_space<hbm>>
    tpu.enqueue_indirect_dma source(%dma_start3A_93 : memref<16x128xf32, #tpu.memory_space<hbm>>) target(%arg20 : memref<64x128xf32, #tpu.memory_space<vmem>>) offsets(%dma_start3A_90 : memref<64xi32, #tpu.memory_space<vmem>>) semaphore(%arg22 : memref<!tpu.dma_semaphore, #tpu.memory_space<semaphore_mem>>) {add = true}
    %dma_start3A_94 = arith.constant 128 : i32
    %dma_start3A_95 = tpu.memref_slice %arg15[%dma_start3A_94] : memref<640xi32, #tpu.memory_space<vmem>> -> memref<64xi32, #tpu.memory_space<vmem>>
    %dma_start3A_96 = arith.constant 0 : i32
    %dma_start3A_97 = arith.constant 0 : i32
    %dma_start3A_98 = tpu.memref_slice %arg8[%dma_start3A_96, %dma_start3A_97] : memref<40x128xf32, #tpu.memory_space<hbm>> -> memref<40x128xf32, #tpu.memory_space<hbm>>
    tpu.enqueue_indirect_dma source(%dma_start3A_98 : memref<40x128xf32, #tpu.memory_space<hbm>>) target(%arg20 : memref<64x128xf32, #tpu.memory_space<vmem>>) offsets(%dma_start3A_95 : memref<64xi32, #tpu.memory_space<vmem>>) semaphore(%arg22 : memref<!tpu.dma_semaphore, #tpu.memory_space<semaphore_mem>>) {add = true}
    %dma_wait3A_99 = arith.constant 128 : i32
    %dma_wait3A_100 = tpu.memref_slice %arg14[%dma_wait3A_99] : memref<640xi32, #tpu.memory_space<vmem>> -> memref<64xi32, #tpu.memory_space<vmem>>
    %dma_wait3A_101 = arith.constant 0 : i32
    %dma_wait3A_102 = arith.constant 0 : i32
    %dma_wait3A_103 = tpu.memref_slice %arg7[%dma_wait3A_101, %dma_wait3A_102] : memref<16x128xf32, #tpu.memory_space<hbm>> -> memref<16x128xf32, #tpu.memory_space<hbm>>
    tpu.wait_indirect_dma semaphore(%arg22 : memref<!tpu.dma_semaphore, #tpu.memory_space<semaphore_mem>>) src(%dma_wait3A_103 : memref<16x128xf32, #tpu.memory_space<hbm>>) dst(%arg20 : memref<64x128xf32, #tpu.memory_space<vmem>>)
    %dma_wait3A_104 = arith.constant 128 : i32
    %dma_wait3A_105 = tpu.memref_slice %arg15[%dma_wait3A_104] : memref<640xi32, #tpu.memory_space<vmem>> -> memref<64xi32, #tpu.memory_space<vmem>>
    %dma_wait3A_106 = arith.constant 0 : i32
    %dma_wait3A_107 = arith.constant 0 : i32
    %dma_wait3A_108 = tpu.memref_slice %arg8[%dma_wait3A_106, %dma_wait3A_107] : memref<40x128xf32, #tpu.memory_space<hbm>> -> memref<40x128xf32, #tpu.memory_space<hbm>>
    tpu.wait_indirect_dma semaphore(%arg22 : memref<!tpu.dma_semaphore, #tpu.memory_space<semaphore_mem>>) src(%dma_wait3A_108 : memref<40x128xf32, #tpu.memory_space<hbm>>) dst(%arg20 : memref<64x128xf32, #tpu.memory_space<vmem>>)
    %add3A_109 = arith.constant 128 : i32
    %add3A_110 = arith.addi %mul3A_2, %add3A_109 : i32
    %dma_start3A_111 = arith.constant 0 : i32
    %dma_start3A_112 = tpu.memref_slice %arg10[%add3A_110, %dma_start3A_111] : memref<20480x128xf32, #tpu.memory_space<hbm>> -> memref<64x128xf32, #tpu.memory_space<hbm>>
    %dma_start3A_113 = arith.constant 0 : i32
    %dma_start3A_114 = tpu.memref_slice %arg10[%add3A_110, %dma_start3A_113] : memref<20480x128xf32, #tpu.memory_space<hbm>> -> memref<64x128xf32, #tpu.memory_space<hbm>>
    tpu.enqueue_dma source(%arg20 : memref<64x128xf32, #tpu.memory_space<vmem>>) target(%dma_start3A_114 : memref<64x128xf32, #tpu.memory_space<hbm>>) target_semaphore(%arg24 : memref<!tpu.dma_semaphore, #tpu.memory_space<semaphore_mem>>)
    %dma_wait3A_115 = arith.constant 0 : i32
    %dma_wait3A_116 = arith.constant 0 : i32
    %dma_wait3A_117 = tpu.memref_slice %arg10[%dma_wait3A_115, %dma_wait3A_116] : memref<20480x128xf32, #tpu.memory_space<hbm>> -> memref<64x128xf32, #tpu.memory_space<hbm>>
    %dma_wait3A_118 = arith.constant 0 : i32
    %dma_wait3A_119 = arith.constant 0 : i32
    %dma_wait3A_120 = tpu.memref_slice %arg10[%dma_wait3A_118, %dma_wait3A_119] : memref<20480x128xf32, #tpu.memory_space<hbm>> -> memref<64x128xf32, #tpu.memory_space<hbm>>
    tpu.wait_dma2 semaphore(%arg25 : memref<!tpu.dma_semaphore, #tpu.memory_space<semaphore_mem>>) src(%arg21 : memref<64x128xf32, #tpu.memory_space<vmem>>) dst(%dma_wait3A_120 : memref<64x128xf32, #tpu.memory_space<hbm>>)
    %dma_start3A_121 = arith.constant 192 : i32
    %dma_start3A_122 = tpu.memref_slice %arg13[%dma_start3A_121] : memref<640xi32, #tpu.memory_space<vmem>> -> memref<64xi32, #tpu.memory_space<vmem>>
    %dma_start3A_123 = arith.constant 0 : i32
    %dma_start3A_124 = arith.constant 0 : i32
    %dma_start3A_125 = tpu.memref_slice %arg6[%dma_start3A_123, %dma_start3A_124] : memref<100000x128xf32, #tpu.memory_space<hbm>> -> memref<100000x128xf32, #tpu.memory_space<hbm>>
    tpu.enqueue_indirect_dma source(%dma_start3A_125 : memref<100000x128xf32, #tpu.memory_space<hbm>>) target(%arg21 : memref<64x128xf32, #tpu.memory_space<vmem>>) offsets(%dma_start3A_122 : memref<64xi32, #tpu.memory_space<vmem>>) semaphore(%arg23 : memref<!tpu.dma_semaphore, #tpu.memory_space<semaphore_mem>>)
    %dma_wait3A_126 = arith.constant 192 : i32
    %dma_wait3A_127 = tpu.memref_slice %arg13[%dma_wait3A_126] : memref<640xi32, #tpu.memory_space<vmem>> -> memref<64xi32, #tpu.memory_space<vmem>>
    %dma_wait3A_128 = arith.constant 0 : i32
    %dma_wait3A_129 = arith.constant 0 : i32
    %dma_wait3A_130 = tpu.memref_slice %arg6[%dma_wait3A_128, %dma_wait3A_129] : memref<100000x128xf32, #tpu.memory_space<hbm>> -> memref<100000x128xf32, #tpu.memory_space<hbm>>
    tpu.wait_indirect_dma semaphore(%arg23 : memref<!tpu.dma_semaphore, #tpu.memory_space<semaphore_mem>>) src(%dma_wait3A_130 : memref<100000x128xf32, #tpu.memory_space<hbm>>) dst(%arg21 : memref<64x128xf32, #tpu.memory_space<vmem>>)
    %dma_start3A_131 = arith.constant 192 : i32
    %dma_start3A_132 = tpu.memref_slice %arg14[%dma_start3A_131] : memref<640xi32, #tpu.memory_space<vmem>> -> memref<64xi32, #tpu.memory_space<vmem>>
    %dma_start3A_133 = arith.constant 0 : i32
    %dma_start3A_134 = arith.constant 0 : i32
    %dma_start3A_135 = tpu.memref_slice %arg7[%dma_start3A_133, %dma_start3A_134] : memref<16x128xf32, #tpu.memory_space<hbm>> -> memref<16x128xf32, #tpu.memory_space<hbm>>
    tpu.enqueue_indirect_dma source(%dma_start3A_135 : memref<16x128xf32, #tpu.memory_space<hbm>>) target(%arg21 : memref<64x128xf32, #tpu.memory_space<vmem>>) offsets(%dma_start3A_132 : memref<64xi32, #tpu.memory_space<vmem>>) semaphore(%arg23 : memref<!tpu.dma_semaphore, #tpu.memory_space<semaphore_mem>>) {add = true}
    %dma_start3A_136 = arith.constant 192 : i32
    %dma_start3A_137 = tpu.memref_slice %arg15[%dma_start3A_136] : memref<640xi32, #tpu.memory_space<vmem>> -> memref<64xi32, #tpu.memory_space<vmem>>
    %dma_start3A_138 = arith.constant 0 : i32
    %dma_start3A_139 = arith.constant 0 : i32
    %dma_start3A_140 = tpu.memref_slice %arg8[%dma_start3A_138, %dma_start3A_139] : memref<40x128xf32, #tpu.memory_space<hbm>> -> memref<40x128xf32, #tpu.memory_space<hbm>>
    tpu.enqueue_indirect_dma source(%dma_start3A_140 : memref<40x128xf32, #tpu.memory_space<hbm>>) target(%arg21 : memref<64x128xf32, #tpu.memory_space<vmem>>) offsets(%dma_start3A_137 : memref<64xi32, #tpu.memory_space<vmem>>) semaphore(%arg23 : memref<!tpu.dma_semaphore, #tpu.memory_space<semaphore_mem>>) {add = true}
    %dma_wait3A_141 = arith.constant 192 : i32
    %dma_wait3A_142 = tpu.memref_slice %arg14[%dma_wait3A_141] : memref<640xi32, #tpu.memory_space<vmem>> -> memref<64xi32, #tpu.memory_space<vmem>>
    %dma_wait3A_143 = arith.constant 0 : i32
    %dma_wait3A_144 = arith.constant 0 : i32
    %dma_wait3A_145 = tpu.memref_slice %arg7[%dma_wait3A_143, %dma_wait3A_144] : memref<16x128xf32, #tpu.memory_space<hbm>> -> memref<16x128xf32, #tpu.memory_space<hbm>>
    tpu.wait_indirect_dma semaphore(%arg23 : memref<!tpu.dma_semaphore, #tpu.memory_space<semaphore_mem>>) src(%dma_wait3A_145 : memref<16x128xf32, #tpu.memory_space<hbm>>) dst(%arg21 : memref<64x128xf32, #tpu.memory_space<vmem>>)
    %dma_wait3A_146 = arith.constant 192 : i32
    %dma_wait3A_147 = tpu.memref_slice %arg15[%dma_wait3A_146] : memref<640xi32, #tpu.memory_space<vmem>> -> memref<64xi32, #tpu.memory_space<vmem>>
    %dma_wait3A_148 = arith.constant 0 : i32
    %dma_wait3A_149 = arith.constant 0 : i32
    %dma_wait3A_150 = tpu.memref_slice %arg8[%dma_wait3A_148, %dma_wait3A_149] : memref<40x128xf32, #tpu.memory_space<hbm>> -> memref<40x128xf32, #tpu.memory_space<hbm>>
    tpu.wait_indirect_dma semaphore(%arg23 : memref<!tpu.dma_semaphore, #tpu.memory_space<semaphore_mem>>) src(%dma_wait3A_150 : memref<40x128xf32, #tpu.memory_space<hbm>>) dst(%arg21 : memref<64x128xf32, #tpu.memory_space<vmem>>)
    %add3A_151 = arith.constant 192 : i32
    %add3A_152 = arith.addi %mul3A_2, %add3A_151 : i32
    %dma_start3A_153 = arith.constant 0 : i32
    %dma_start3A_154 = tpu.memref_slice %arg10[%add3A_152, %dma_start3A_153] : memref<20480x128xf32, #tpu.memory_space<hbm>> -> memref<64x128xf32, #tpu.memory_space<hbm>>
    %dma_start3A_155 = arith.constant 0 : i32
    %dma_start3A_156 = tpu.memref_slice %arg10[%add3A_152, %dma_start3A_155] : memref<20480x128xf32, #tpu.memory_space<hbm>> -> memref<64x128xf32, #tpu.memory_space<hbm>>
    tpu.enqueue_dma source(%arg21 : memref<64x128xf32, #tpu.memory_space<vmem>>) target(%dma_start3A_156 : memref<64x128xf32, #tpu.memory_space<hbm>>) target_semaphore(%arg25 : memref<!tpu.dma_semaphore, #tpu.memory_space<semaphore_mem>>)
    %dma_wait3A_157 = arith.constant 0 : i32
    %dma_wait3A_158 = arith.constant 0 : i32
    %dma_wait3A_159 = tpu.memref_slice %arg10[%dma_wait3A_157, %dma_wait3A_158] : memref<20480x128xf32, #tpu.memory_space<hbm>> -> memref<64x128xf32, #tpu.memory_space<hbm>>
    %dma_wait3A_160 = arith.constant 0 : i32
    %dma_wait3A_161 = arith.constant 0 : i32
    %dma_wait3A_162 = tpu.memref_slice %arg10[%dma_wait3A_160, %dma_wait3A_161] : memref<20480x128xf32, #tpu.memory_space<hbm>> -> memref<64x128xf32, #tpu.memory_space<hbm>>
    tpu.wait_dma2 semaphore(%arg24 : memref<!tpu.dma_semaphore, #tpu.memory_space<semaphore_mem>>) src(%arg20 : memref<64x128xf32, #tpu.memory_space<vmem>>) dst(%dma_wait3A_162 : memref<64x128xf32, #tpu.memory_space<hbm>>)
    %dma_start3A_163 = arith.constant 256 : i32
    %dma_start3A_164 = tpu.memref_slice %arg13[%dma_start3A_163] : memref<640xi32, #tpu.memory_space<vmem>> -> memref<64xi32, #tpu.memory_space<vmem>>
    %dma_start3A_165 = arith.constant 0 : i32
    %dma_start3A_166 = arith.constant 0 : i32
    %dma_start3A_167 = tpu.memref_slice %arg6[%dma_start3A_165, %dma_start3A_166] : memref<100000x128xf32, #tpu.memory_space<hbm>> -> memref<100000x128xf32, #tpu.memory_space<hbm>>
    tpu.enqueue_indirect_dma source(%dma_start3A_167 : memref<100000x128xf32, #tpu.memory_space<hbm>>) target(%arg20 : memref<64x128xf32, #tpu.memory_space<vmem>>) offsets(%dma_start3A_164 : memref<64xi32, #tpu.memory_space<vmem>>) semaphore(%arg22 : memref<!tpu.dma_semaphore, #tpu.memory_space<semaphore_mem>>)
    %dma_wait3A_168 = arith.constant 256 : i32
    %dma_wait3A_169 = tpu.memref_slice %arg13[%dma_wait3A_168] : memref<640xi32, #tpu.memory_space<vmem>> -> memref<64xi32, #tpu.memory_space<vmem>>
    %dma_wait3A_170 = arith.constant 0 : i32
    %dma_wait3A_171 = arith.constant 0 : i32
    %dma_wait3A_172 = tpu.memref_slice %arg6[%dma_wait3A_170, %dma_wait3A_171] : memref<100000x128xf32, #tpu.memory_space<hbm>> -> memref<100000x128xf32, #tpu.memory_space<hbm>>
    tpu.wait_indirect_dma semaphore(%arg22 : memref<!tpu.dma_semaphore, #tpu.memory_space<semaphore_mem>>) src(%dma_wait3A_172 : memref<100000x128xf32, #tpu.memory_space<hbm>>) dst(%arg20 : memref<64x128xf32, #tpu.memory_space<vmem>>)
    %dma_start3A_173 = arith.constant 256 : i32
    %dma_start3A_174 = tpu.memref_slice %arg14[%dma_start3A_173] : memref<640xi32, #tpu.memory_space<vmem>> -> memref<64xi32, #tpu.memory_space<vmem>>
    %dma_start3A_175 = arith.constant 0 : i32
    %dma_start3A_176 = arith.constant 0 : i32
    %dma_start3A_177 = tpu.memref_slice %arg7[%dma_start3A_175, %dma_start3A_176] : memref<16x128xf32, #tpu.memory_space<hbm>> -> memref<16x128xf32, #tpu.memory_space<hbm>>
    tpu.enqueue_indirect_dma source(%dma_start3A_177 : memref<16x128xf32, #tpu.memory_space<hbm>>) target(%arg20 : memref<64x128xf32, #tpu.memory_space<vmem>>) offsets(%dma_start3A_174 : memref<64xi32, #tpu.memory_space<vmem>>) semaphore(%arg22 : memref<!tpu.dma_semaphore, #tpu.memory_space<semaphore_mem>>) {add = true}
    %dma_start3A_178 = arith.constant 256 : i32
    %dma_start3A_179 = tpu.memref_slice %arg15[%dma_start3A_178] : memref<640xi32, #tpu.memory_space<vmem>> -> memref<64xi32, #tpu.memory_space<vmem>>
    %dma_start3A_180 = arith.constant 0 : i32
    %dma_start3A_181 = arith.constant 0 : i32
    %dma_start3A_182 = tpu.memref_slice %arg8[%dma_start3A_180, %dma_start3A_181] : memref<40x128xf32, #tpu.memory_space<hbm>> -> memref<40x128xf32, #tpu.memory_space<hbm>>
    tpu.enqueue_indirect_dma source(%dma_start3A_182 : memref<40x128xf32, #tpu.memory_space<hbm>>) target(%arg20 : memref<64x128xf32, #tpu.memory_space<vmem>>) offsets(%dma_start3A_179 : memref<64xi32, #tpu.memory_space<vmem>>) semaphore(%arg22 : memref<!tpu.dma_semaphore, #tpu.memory_space<semaphore_mem>>) {add = true}
    %dma_wait3A_183 = arith.constant 256 : i32
    %dma_wait3A_184 = tpu.memref_slice %arg14[%dma_wait3A_183] : memref<640xi32, #tpu.memory_space<vmem>> -> memref<64xi32, #tpu.memory_space<vmem>>
    %dma_wait3A_185 = arith.constant 0 : i32
    %dma_wait3A_186 = arith.constant 0 : i32
    %dma_wait3A_187 = tpu.memref_slice %arg7[%dma_wait3A_185, %dma_wait3A_186] : memref<16x128xf32, #tpu.memory_space<hbm>> -> memref<16x128xf32, #tpu.memory_space<hbm>>
    tpu.wait_indirect_dma semaphore(%arg22 : memref<!tpu.dma_semaphore, #tpu.memory_space<semaphore_mem>>) src(%dma_wait3A_187 : memref<16x128xf32, #tpu.memory_space<hbm>>) dst(%arg20 : memref<64x128xf32, #tpu.memory_space<vmem>>)
    %dma_wait3A_188 = arith.constant 256 : i32
    %dma_wait3A_189 = tpu.memref_slice %arg15[%dma_wait3A_188] : memref<640xi32, #tpu.memory_space<vmem>> -> memref<64xi32, #tpu.memory_space<vmem>>
    %dma_wait3A_190 = arith.constant 0 : i32
    %dma_wait3A_191 = arith.constant 0 : i32
    %dma_wait3A_192 = tpu.memref_slice %arg8[%dma_wait3A_190, %dma_wait3A_191] : memref<40x128xf32, #tpu.memory_space<hbm>> -> memref<40x128xf32, #tpu.memory_space<hbm>>
    tpu.wait_indirect_dma semaphore(%arg22 : memref<!tpu.dma_semaphore, #tpu.memory_space<semaphore_mem>>) src(%dma_wait3A_192 : memref<40x128xf32, #tpu.memory_space<hbm>>) dst(%arg20 : memref<64x128xf32, #tpu.memory_space<vmem>>)
    %add3A_193 = arith.constant 256 : i32
    %add3A_194 = arith.addi %mul3A_2, %add3A_193 : i32
    %dma_start3A_195 = arith.constant 0 : i32
    %dma_start3A_196 = tpu.memref_slice %arg10[%add3A_194, %dma_start3A_195] : memref<20480x128xf32, #tpu.memory_space<hbm>> -> memref<64x128xf32, #tpu.memory_space<hbm>>
    %dma_start3A_197 = arith.constant 0 : i32
    %dma_start3A_198 = tpu.memref_slice %arg10[%add3A_194, %dma_start3A_197] : memref<20480x128xf32, #tpu.memory_space<hbm>> -> memref<64x128xf32, #tpu.memory_space<hbm>>
    tpu.enqueue_dma source(%arg20 : memref<64x128xf32, #tpu.memory_space<vmem>>) target(%dma_start3A_198 : memref<64x128xf32, #tpu.memory_space<hbm>>) target_semaphore(%arg24 : memref<!tpu.dma_semaphore, #tpu.memory_space<semaphore_mem>>)
    %dma_wait3A_199 = arith.constant 0 : i32
    %dma_wait3A_200 = arith.constant 0 : i32
    %dma_wait3A_201 = tpu.memref_slice %arg10[%dma_wait3A_199, %dma_wait3A_200] : memref<20480x128xf32, #tpu.memory_space<hbm>> -> memref<64x128xf32, #tpu.memory_space<hbm>>
    %dma_wait3A_202 = arith.constant 0 : i32
    %dma_wait3A_203 = arith.constant 0 : i32
    %dma_wait3A_204 = tpu.memref_slice %arg10[%dma_wait3A_202, %dma_wait3A_203] : memref<20480x128xf32, #tpu.memory_space<hbm>> -> memref<64x128xf32, #tpu.memory_space<hbm>>
    tpu.wait_dma2 semaphore(%arg25 : memref<!tpu.dma_semaphore, #tpu.memory_space<semaphore_mem>>) src(%arg21 : memref<64x128xf32, #tpu.memory_space<vmem>>) dst(%dma_wait3A_204 : memref<64x128xf32, #tpu.memory_space<hbm>>)
    %dma_start3A_205 = arith.constant 320 : i32
    %dma_start3A_206 = tpu.memref_slice %arg13[%dma_start3A_205] : memref<640xi32, #tpu.memory_space<vmem>> -> memref<64xi32, #tpu.memory_space<vmem>>
    %dma_start3A_207 = arith.constant 0 : i32
    %dma_start3A_208 = arith.constant 0 : i32
    %dma_start3A_209 = tpu.memref_slice %arg6[%dma_start3A_207, %dma_start3A_208] : memref<100000x128xf32, #tpu.memory_space<hbm>> -> memref<100000x128xf32, #tpu.memory_space<hbm>>
    tpu.enqueue_indirect_dma source(%dma_start3A_209 : memref<100000x128xf32, #tpu.memory_space<hbm>>) target(%arg21 : memref<64x128xf32, #tpu.memory_space<vmem>>) offsets(%dma_start3A_206 : memref<64xi32, #tpu.memory_space<vmem>>) semaphore(%arg23 : memref<!tpu.dma_semaphore, #tpu.memory_space<semaphore_mem>>)
    %dma_wait3A_210 = arith.constant 320 : i32
    %dma_wait3A_211 = tpu.memref_slice %arg13[%dma_wait3A_210] : memref<640xi32, #tpu.memory_space<vmem>> -> memref<64xi32, #tpu.memory_space<vmem>>
    %dma_wait3A_212 = arith.constant 0 : i32
    %dma_wait3A_213 = arith.constant 0 : i32
    %dma_wait3A_214 = tpu.memref_slice %arg6[%dma_wait3A_212, %dma_wait3A_213] : memref<100000x128xf32, #tpu.memory_space<hbm>> -> memref<100000x128xf32, #tpu.memory_space<hbm>>
    tpu.wait_indirect_dma semaphore(%arg23 : memref<!tpu.dma_semaphore, #tpu.memory_space<semaphore_mem>>) src(%dma_wait3A_214 : memref<100000x128xf32, #tpu.memory_space<hbm>>) dst(%arg21 : memref<64x128xf32, #tpu.memory_space<vmem>>)
    %dma_start3A_215 = arith.constant 320 : i32
    %dma_start3A_216 = tpu.memref_slice %arg14[%dma_start3A_215] : memref<640xi32, #tpu.memory_space<vmem>> -> memref<64xi32, #tpu.memory_space<vmem>>
    %dma_start3A_217 = arith.constant 0 : i32
    %dma_start3A_218 = arith.constant 0 : i32
    %dma_start3A_219 = tpu.memref_slice %arg7[%dma_start3A_217, %dma_start3A_218] : memref<16x128xf32, #tpu.memory_space<hbm>> -> memref<16x128xf32, #tpu.memory_space<hbm>>
    tpu.enqueue_indirect_dma source(%dma_start3A_219 : memref<16x128xf32, #tpu.memory_space<hbm>>) target(%arg21 : memref<64x128xf32, #tpu.memory_space<vmem>>) offsets(%dma_start3A_216 : memref<64xi32, #tpu.memory_space<vmem>>) semaphore(%arg23 : memref<!tpu.dma_semaphore, #tpu.memory_space<semaphore_mem>>) {add = true}
    %dma_start3A_220 = arith.constant 320 : i32
    %dma_start3A_221 = tpu.memref_slice %arg15[%dma_start3A_220] : memref<640xi32, #tpu.memory_space<vmem>> -> memref<64xi32, #tpu.memory_space<vmem>>
    %dma_start3A_222 = arith.constant 0 : i32
    %dma_start3A_223 = arith.constant 0 : i32
    %dma_start3A_224 = tpu.memref_slice %arg8[%dma_start3A_222, %dma_start3A_223] : memref<40x128xf32, #tpu.memory_space<hbm>> -> memref<40x128xf32, #tpu.memory_space<hbm>>
    tpu.enqueue_indirect_dma source(%dma_start3A_224 : memref<40x128xf32, #tpu.memory_space<hbm>>) target(%arg21 : memref<64x128xf32, #tpu.memory_space<vmem>>) offsets(%dma_start3A_221 : memref<64xi32, #tpu.memory_space<vmem>>) semaphore(%arg23 : memref<!tpu.dma_semaphore, #tpu.memory_space<semaphore_mem>>) {add = true}
    %dma_wait3A_225 = arith.constant 320 : i32
    %dma_wait3A_226 = tpu.memref_slice %arg14[%dma_wait3A_225] : memref<640xi32, #tpu.memory_space<vmem>> -> memref<64xi32, #tpu.memory_space<vmem>>
    %dma_wait3A_227 = arith.constant 0 : i32
    %dma_wait3A_228 = arith.constant 0 : i32
    %dma_wait3A_229 = tpu.memref_slice %arg7[%dma_wait3A_227, %dma_wait3A_228] : memref<16x128xf32, #tpu.memory_space<hbm>> -> memref<16x128xf32, #tpu.memory_space<hbm>>
    tpu.wait_indirect_dma semaphore(%arg23 : memref<!tpu.dma_semaphore, #tpu.memory_space<semaphore_mem>>) src(%dma_wait3A_229 : memref<16x128xf32, #tpu.memory_space<hbm>>) dst(%arg21 : memref<64x128xf32, #tpu.memory_space<vmem>>)
    %dma_wait3A_230 = arith.constant 320 : i32
    %dma_wait3A_231 = tpu.memref_slice %arg15[%dma_wait3A_230] : memref<640xi32, #tpu.memory_space<vmem>> -> memref<64xi32, #tpu.memory_space<vmem>>
    %dma_wait3A_232 = arith.constant 0 : i32
    %dma_wait3A_233 = arith.constant 0 : i32
    %dma_wait3A_234 = tpu.memref_slice %arg8[%dma_wait3A_232, %dma_wait3A_233] : memref<40x128xf32, #tpu.memory_space<hbm>> -> memref<40x128xf32, #tpu.memory_space<hbm>>
    tpu.wait_indirect_dma semaphore(%arg23 : memref<!tpu.dma_semaphore, #tpu.memory_space<semaphore_mem>>) src(%dma_wait3A_234 : memref<40x128xf32, #tpu.memory_space<hbm>>) dst(%arg21 : memref<64x128xf32, #tpu.memory_space<vmem>>)
    %add3A_235 = arith.constant 320 : i32
    %add3A_236 = arith.addi %mul3A_2, %add3A_235 : i32
    %dma_start3A_237 = arith.constant 0 : i32
    %dma_start3A_238 = tpu.memref_slice %arg10[%add3A_236, %dma_start3A_237] : memref<20480x128xf32, #tpu.memory_space<hbm>> -> memref<64x128xf32, #tpu.memory_space<hbm>>
    %dma_start3A_239 = arith.constant 0 : i32
    %dma_start3A_240 = tpu.memref_slice %arg10[%add3A_236, %dma_start3A_239] : memref<20480x128xf32, #tpu.memory_space<hbm>> -> memref<64x128xf32, #tpu.memory_space<hbm>>
    tpu.enqueue_dma source(%arg21 : memref<64x128xf32, #tpu.memory_space<vmem>>) target(%dma_start3A_240 : memref<64x128xf32, #tpu.memory_space<hbm>>) target_semaphore(%arg25 : memref<!tpu.dma_semaphore, #tpu.memory_space<semaphore_mem>>)
    %dma_wait3A_241 = arith.constant 0 : i32
    %dma_wait3A_242 = arith.constant 0 : i32
    %dma_wait3A_243 = tpu.memref_slice %arg10[%dma_wait3A_241, %dma_wait3A_242] : memref<20480x128xf32, #tpu.memory_space<hbm>> -> memref<64x128xf32, #tpu.memory_space<hbm>>
    %dma_wait3A_244 = arith.constant 0 : i32
    %dma_wait3A_245 = arith.constant 0 : i32
    %dma_wait3A_246 = tpu.memref_slice %arg10[%dma_wait3A_244, %dma_wait3A_245] : memref<20480x128xf32, #tpu.memory_space<hbm>> -> memref<64x128xf32, #tpu.memory_space<hbm>>
    tpu.wait_dma2 semaphore(%arg24 : memref<!tpu.dma_semaphore, #tpu.memory_space<semaphore_mem>>) src(%arg20 : memref<64x128xf32, #tpu.memory_space<vmem>>) dst(%dma_wait3A_246 : memref<64x128xf32, #tpu.memory_space<hbm>>)
    %dma_start3A_247 = arith.constant 384 : i32
    %dma_start3A_248 = tpu.memref_slice %arg13[%dma_start3A_247] : memref<640xi32, #tpu.memory_space<vmem>> -> memref<64xi32, #tpu.memory_space<vmem>>
    %dma_start3A_249 = arith.constant 0 : i32
    %dma_start3A_250 = arith.constant 0 : i32
    %dma_start3A_251 = tpu.memref_slice %arg6[%dma_start3A_249, %dma_start3A_250] : memref<100000x128xf32, #tpu.memory_space<hbm>> -> memref<100000x128xf32, #tpu.memory_space<hbm>>
    tpu.enqueue_indirect_dma source(%dma_start3A_251 : memref<100000x128xf32, #tpu.memory_space<hbm>>) target(%arg20 : memref<64x128xf32, #tpu.memory_space<vmem>>) offsets(%dma_start3A_248 : memref<64xi32, #tpu.memory_space<vmem>>) semaphore(%arg22 : memref<!tpu.dma_semaphore, #tpu.memory_space<semaphore_mem>>)
    %dma_wait3A_252 = arith.constant 384 : i32
    %dma_wait3A_253 = tpu.memref_slice %arg13[%dma_wait3A_252] : memref<640xi32, #tpu.memory_space<vmem>> -> memref<64xi32, #tpu.memory_space<vmem>>
    %dma_wait3A_254 = arith.constant 0 : i32
    %dma_wait3A_255 = arith.constant 0 : i32
    %dma_wait3A_256 = tpu.memref_slice %arg6[%dma_wait3A_254, %dma_wait3A_255] : memref<100000x128xf32, #tpu.memory_space<hbm>> -> memref<100000x128xf32, #tpu.memory_space<hbm>>
    tpu.wait_indirect_dma semaphore(%arg22 : memref<!tpu.dma_semaphore, #tpu.memory_space<semaphore_mem>>) src(%dma_wait3A_256 : memref<100000x128xf32, #tpu.memory_space<hbm>>) dst(%arg20 : memref<64x128xf32, #tpu.memory_space<vmem>>)
    %dma_start3A_257 = arith.constant 384 : i32
    %dma_start3A_258 = tpu.memref_slice %arg14[%dma_start3A_257] : memref<640xi32, #tpu.memory_space<vmem>> -> memref<64xi32, #tpu.memory_space<vmem>>
    %dma_start3A_259 = arith.constant 0 : i32
    %dma_start3A_260 = arith.constant 0 : i32
    %dma_start3A_261 = tpu.memref_slice %arg7[%dma_start3A_259, %dma_start3A_260] : memref<16x128xf32, #tpu.memory_space<hbm>> -> memref<16x128xf32, #tpu.memory_space<hbm>>
    tpu.enqueue_indirect_dma source(%dma_start3A_261 : memref<16x128xf32, #tpu.memory_space<hbm>>) target(%arg20 : memref<64x128xf32, #tpu.memory_space<vmem>>) offsets(%dma_start3A_258 : memref<64xi32, #tpu.memory_space<vmem>>) semaphore(%arg22 : memref<!tpu.dma_semaphore, #tpu.memory_space<semaphore_mem>>) {add = true}
    %dma_start3A_262 = arith.constant 384 : i32
    %dma_start3A_263 = tpu.memref_slice %arg15[%dma_start3A_262] : memref<640xi32, #tpu.memory_space<vmem>> -> memref<64xi32, #tpu.memory_space<vmem>>
    %dma_start3A_264 = arith.constant 0 : i32
    %dma_start3A_265 = arith.constant 0 : i32
    %dma_start3A_266 = tpu.memref_slice %arg8[%dma_start3A_264, %dma_start3A_265] : memref<40x128xf32, #tpu.memory_space<hbm>> -> memref<40x128xf32, #tpu.memory_space<hbm>>
    tpu.enqueue_indirect_dma source(%dma_start3A_266 : memref<40x128xf32, #tpu.memory_space<hbm>>) target(%arg20 : memref<64x128xf32, #tpu.memory_space<vmem>>) offsets(%dma_start3A_263 : memref<64xi32, #tpu.memory_space<vmem>>) semaphore(%arg22 : memref<!tpu.dma_semaphore, #tpu.memory_space<semaphore_mem>>) {add = true}
    %dma_wait3A_267 = arith.constant 384 : i32
    %dma_wait3A_268 = tpu.memref_slice %arg14[%dma_wait3A_267] : memref<640xi32, #tpu.memory_space<vmem>> -> memref<64xi32, #tpu.memory_space<vmem>>
    %dma_wait3A_269 = arith.constant 0 : i32
    %dma_wait3A_270 = arith.constant 0 : i32
    %dma_wait3A_271 = tpu.memref_slice %arg7[%dma_wait3A_269, %dma_wait3A_270] : memref<16x128xf32, #tpu.memory_space<hbm>> -> memref<16x128xf32, #tpu.memory_space<hbm>>
    tpu.wait_indirect_dma semaphore(%arg22 : memref<!tpu.dma_semaphore, #tpu.memory_space<semaphore_mem>>) src(%dma_wait3A_271 : memref<16x128xf32, #tpu.memory_space<hbm>>) dst(%arg20 : memref<64x128xf32, #tpu.memory_space<vmem>>)
    %dma_wait3A_272 = arith.constant 384 : i32
    %dma_wait3A_273 = tpu.memref_slice %arg15[%dma_wait3A_272] : memref<640xi32, #tpu.memory_space<vmem>> -> memref<64xi32, #tpu.memory_space<vmem>>
    %dma_wait3A_274 = arith.constant 0 : i32
    %dma_wait3A_275 = arith.constant 0 : i32
    %dma_wait3A_276 = tpu.memref_slice %arg8[%dma_wait3A_274, %dma_wait3A_275] : memref<40x128xf32, #tpu.memory_space<hbm>> -> memref<40x128xf32, #tpu.memory_space<hbm>>
    tpu.wait_indirect_dma semaphore(%arg22 : memref<!tpu.dma_semaphore, #tpu.memory_space<semaphore_mem>>) src(%dma_wait3A_276 : memref<40x128xf32, #tpu.memory_space<hbm>>) dst(%arg20 : memref<64x128xf32, #tpu.memory_space<vmem>>)
    %add3A_277 = arith.constant 384 : i32
    %add3A_278 = arith.addi %mul3A_2, %add3A_277 : i32
    %dma_start3A_279 = arith.constant 0 : i32
    %dma_start3A_280 = tpu.memref_slice %arg10[%add3A_278, %dma_start3A_279] : memref<20480x128xf32, #tpu.memory_space<hbm>> -> memref<64x128xf32, #tpu.memory_space<hbm>>
    %dma_start3A_281 = arith.constant 0 : i32
    %dma_start3A_282 = tpu.memref_slice %arg10[%add3A_278, %dma_start3A_281] : memref<20480x128xf32, #tpu.memory_space<hbm>> -> memref<64x128xf32, #tpu.memory_space<hbm>>
    tpu.enqueue_dma source(%arg20 : memref<64x128xf32, #tpu.memory_space<vmem>>) target(%dma_start3A_282 : memref<64x128xf32, #tpu.memory_space<hbm>>) target_semaphore(%arg24 : memref<!tpu.dma_semaphore, #tpu.memory_space<semaphore_mem>>)
    %dma_wait3A_283 = arith.constant 0 : i32
    %dma_wait3A_284 = arith.constant 0 : i32
    %dma_wait3A_285 = tpu.memref_slice %arg10[%dma_wait3A_283, %dma_wait3A_284] : memref<20480x128xf32, #tpu.memory_space<hbm>> -> memref<64x128xf32, #tpu.memory_space<hbm>>
    %dma_wait3A_286 = arith.constant 0 : i32
    %dma_wait3A_287 = arith.constant 0 : i32
    %dma_wait3A_288 = tpu.memref_slice %arg10[%dma_wait3A_286, %dma_wait3A_287] : memref<20480x128xf32, #tpu.memory_space<hbm>> -> memref<64x128xf32, #tpu.memory_space<hbm>>
    tpu.wait_dma2 semaphore(%arg25 : memref<!tpu.dma_semaphore, #tpu.memory_space<semaphore_mem>>) src(%arg21 : memref<64x128xf32, #tpu.memory_space<vmem>>) dst(%dma_wait3A_288 : memref<64x128xf32, #tpu.memory_space<hbm>>)
    %dma_start3A_289 = arith.constant 448 : i32
    %dma_start3A_290 = tpu.memref_slice %arg13[%dma_start3A_289] : memref<640xi32, #tpu.memory_space<vmem>> -> memref<64xi32, #tpu.memory_space<vmem>>
    %dma_start3A_291 = arith.constant 0 : i32
    %dma_start3A_292 = arith.constant 0 : i32
    %dma_start3A_293 = tpu.memref_slice %arg6[%dma_start3A_291, %dma_start3A_292] : memref<100000x128xf32, #tpu.memory_space<hbm>> -> memref<100000x128xf32, #tpu.memory_space<hbm>>
    tpu.enqueue_indirect_dma source(%dma_start3A_293 : memref<100000x128xf32, #tpu.memory_space<hbm>>) target(%arg21 : memref<64x128xf32, #tpu.memory_space<vmem>>) offsets(%dma_start3A_290 : memref<64xi32, #tpu.memory_space<vmem>>) semaphore(%arg23 : memref<!tpu.dma_semaphore, #tpu.memory_space<semaphore_mem>>)
    %dma_wait3A_294 = arith.constant 448 : i32
    %dma_wait3A_295 = tpu.memref_slice %arg13[%dma_wait3A_294] : memref<640xi32, #tpu.memory_space<vmem>> -> memref<64xi32, #tpu.memory_space<vmem>>
    %dma_wait3A_296 = arith.constant 0 : i32
    %dma_wait3A_297 = arith.constant 0 : i32
    %dma_wait3A_298 = tpu.memref_slice %arg6[%dma_wait3A_296, %dma_wait3A_297] : memref<100000x128xf32, #tpu.memory_space<hbm>> -> memref<100000x128xf32, #tpu.memory_space<hbm>>
    tpu.wait_indirect_dma semaphore(%arg23 : memref<!tpu.dma_semaphore, #tpu.memory_space<semaphore_mem>>) src(%dma_wait3A_298 : memref<100000x128xf32, #tpu.memory_space<hbm>>) dst(%arg21 : memref<64x128xf32, #tpu.memory_space<vmem>>)
    %dma_start3A_299 = arith.constant 448 : i32
    %dma_start3A_300 = tpu.memref_slice %arg14[%dma_start3A_299] : memref<640xi32, #tpu.memory_space<vmem>> -> memref<64xi32, #tpu.memory_space<vmem>>
    %dma_start3A_301 = arith.constant 0 : i32
    %dma_start3A_302 = arith.constant 0 : i32
    %dma_start3A_303 = tpu.memref_slice %arg7[%dma_start3A_301, %dma_start3A_302] : memref<16x128xf32, #tpu.memory_space<hbm>> -> memref<16x128xf32, #tpu.memory_space<hbm>>
    tpu.enqueue_indirect_dma source(%dma_start3A_303 : memref<16x128xf32, #tpu.memory_space<hbm>>) target(%arg21 : memref<64x128xf32, #tpu.memory_space<vmem>>) offsets(%dma_start3A_300 : memref<64xi32, #tpu.memory_space<vmem>>) semaphore(%arg23 : memref<!tpu.dma_semaphore, #tpu.memory_space<semaphore_mem>>) {add = true}
    %dma_start3A_304 = arith.constant 448 : i32
    %dma_start3A_305 = tpu.memref_slice %arg15[%dma_start3A_304] : memref<640xi32, #tpu.memory_space<vmem>> -> memref<64xi32, #tpu.memory_space<vmem>>
    %dma_start3A_306 = arith.constant 0 : i32
    %dma_start3A_307 = arith.constant 0 : i32
    %dma_start3A_308 = tpu.memref_slice %arg8[%dma_start3A_306, %dma_start3A_307] : memref<40x128xf32, #tpu.memory_space<hbm>> -> memref<40x128xf32, #tpu.memory_space<hbm>>
    tpu.enqueue_indirect_dma source(%dma_start3A_308 : memref<40x128xf32, #tpu.memory_space<hbm>>) target(%arg21 : memref<64x128xf32, #tpu.memory_space<vmem>>) offsets(%dma_start3A_305 : memref<64xi32, #tpu.memory_space<vmem>>) semaphore(%arg23 : memref<!tpu.dma_semaphore, #tpu.memory_space<semaphore_mem>>) {add = true}
    %dma_wait3A_309 = arith.constant 448 : i32
    %dma_wait3A_310 = tpu.memref_slice %arg14[%dma_wait3A_309] : memref<640xi32, #tpu.memory_space<vmem>> -> memref<64xi32, #tpu.memory_space<vmem>>
    %dma_wait3A_311 = arith.constant 0 : i32
    %dma_wait3A_312 = arith.constant 0 : i32
    %dma_wait3A_313 = tpu.memref_slice %arg7[%dma_wait3A_311, %dma_wait3A_312] : memref<16x128xf32, #tpu.memory_space<hbm>> -> memref<16x128xf32, #tpu.memory_space<hbm>>
    tpu.wait_indirect_dma semaphore(%arg23 : memref<!tpu.dma_semaphore, #tpu.memory_space<semaphore_mem>>) src(%dma_wait3A_313 : memref<16x128xf32, #tpu.memory_space<hbm>>) dst(%arg21 : memref<64x128xf32, #tpu.memory_space<vmem>>)
    %dma_wait3A_314 = arith.constant 448 : i32
    %dma_wait3A_315 = tpu.memref_slice %arg15[%dma_wait3A_314] : memref<640xi32, #tpu.memory_space<vmem>> -> memref<64xi32, #tpu.memory_space<vmem>>
    %dma_wait3A_316 = arith.constant 0 : i32
    %dma_wait3A_317 = arith.constant 0 : i32
    %dma_wait3A_318 = tpu.memref_slice %arg8[%dma_wait3A_316, %dma_wait3A_317] : memref<40x128xf32, #tpu.memory_space<hbm>> -> memref<40x128xf32, #tpu.memory_space<hbm>>
    tpu.wait_indirect_dma semaphore(%arg23 : memref<!tpu.dma_semaphore, #tpu.memory_space<semaphore_mem>>) src(%dma_wait3A_318 : memref<40x128xf32, #tpu.memory_space<hbm>>) dst(%arg21 : memref<64x128xf32, #tpu.memory_space<vmem>>)
    %add3A_319 = arith.constant 448 : i32
    %add3A_320 = arith.addi %mul3A_2, %add3A_319 : i32
    %dma_start3A_321 = arith.constant 0 : i32
    %dma_start3A_322 = tpu.memref_slice %arg10[%add3A_320, %dma_start3A_321] : memref<20480x128xf32, #tpu.memory_space<hbm>> -> memref<64x128xf32, #tpu.memory_space<hbm>>
    %dma_start3A_323 = arith.constant 0 : i32
    %dma_start3A_324 = tpu.memref_slice %arg10[%add3A_320, %dma_start3A_323] : memref<20480x128xf32, #tpu.memory_space<hbm>> -> memref<64x128xf32, #tpu.memory_space<hbm>>
    tpu.enqueue_dma source(%arg21 : memref<64x128xf32, #tpu.memory_space<vmem>>) target(%dma_start3A_324 : memref<64x128xf32, #tpu.memory_space<hbm>>) target_semaphore(%arg25 : memref<!tpu.dma_semaphore, #tpu.memory_space<semaphore_mem>>)
    %dma_wait3A_325 = arith.constant 0 : i32
    %dma_wait3A_326 = arith.constant 0 : i32
    %dma_wait3A_327 = tpu.memref_slice %arg10[%dma_wait3A_325, %dma_wait3A_326] : memref<20480x128xf32, #tpu.memory_space<hbm>> -> memref<64x128xf32, #tpu.memory_space<hbm>>
    %dma_wait3A_328 = arith.constant 0 : i32
    %dma_wait3A_329 = arith.constant 0 : i32
    %dma_wait3A_330 = tpu.memref_slice %arg10[%dma_wait3A_328, %dma_wait3A_329] : memref<20480x128xf32, #tpu.memory_space<hbm>> -> memref<64x128xf32, #tpu.memory_space<hbm>>
    tpu.wait_dma2 semaphore(%arg24 : memref<!tpu.dma_semaphore, #tpu.memory_space<semaphore_mem>>) src(%arg20 : memref<64x128xf32, #tpu.memory_space<vmem>>) dst(%dma_wait3A_330 : memref<64x128xf32, #tpu.memory_space<hbm>>)
    %dma_start3A_331 = arith.constant 512 : i32
    %dma_start3A_332 = tpu.memref_slice %arg13[%dma_start3A_331] : memref<640xi32, #tpu.memory_space<vmem>> -> memref<64xi32, #tpu.memory_space<vmem>>
    %dma_start3A_333 = arith.constant 0 : i32
    %dma_start3A_334 = arith.constant 0 : i32
    %dma_start3A_335 = tpu.memref_slice %arg6[%dma_start3A_333, %dma_start3A_334] : memref<100000x128xf32, #tpu.memory_space<hbm>> -> memref<100000x128xf32, #tpu.memory_space<hbm>>
    tpu.enqueue_indirect_dma source(%dma_start3A_335 : memref<100000x128xf32, #tpu.memory_space<hbm>>) target(%arg20 : memref<64x128xf32, #tpu.memory_space<vmem>>) offsets(%dma_start3A_332 : memref<64xi32, #tpu.memory_space<vmem>>) semaphore(%arg22 : memref<!tpu.dma_semaphore, #tpu.memory_space<semaphore_mem>>)
    %dma_wait3A_336 = arith.constant 512 : i32
    %dma_wait3A_337 = tpu.memref_slice %arg13[%dma_wait3A_336] : memref<640xi32, #tpu.memory_space<vmem>> -> memref<64xi32, #tpu.memory_space<vmem>>
    %dma_wait3A_338 = arith.constant 0 : i32
    %dma_wait3A_339 = arith.constant 0 : i32
    %dma_wait3A_340 = tpu.memref_slice %arg6[%dma_wait3A_338, %dma_wait3A_339] : memref<100000x128xf32, #tpu.memory_space<hbm>> -> memref<100000x128xf32, #tpu.memory_space<hbm>>
    tpu.wait_indirect_dma semaphore(%arg22 : memref<!tpu.dma_semaphore, #tpu.memory_space<semaphore_mem>>) src(%dma_wait3A_340 : memref<100000x128xf32, #tpu.memory_space<hbm>>) dst(%arg20 : memref<64x128xf32, #tpu.memory_space<vmem>>)
    %dma_start3A_341 = arith.constant 512 : i32
    %dma_start3A_342 = tpu.memref_slice %arg14[%dma_start3A_341] : memref<640xi32, #tpu.memory_space<vmem>> -> memref<64xi32, #tpu.memory_space<vmem>>
    %dma_start3A_343 = arith.constant 0 : i32
    %dma_start3A_344 = arith.constant 0 : i32
    %dma_start3A_345 = tpu.memref_slice %arg7[%dma_start3A_343, %dma_start3A_344] : memref<16x128xf32, #tpu.memory_space<hbm>> -> memref<16x128xf32, #tpu.memory_space<hbm>>
    tpu.enqueue_indirect_dma source(%dma_start3A_345 : memref<16x128xf32, #tpu.memory_space<hbm>>) target(%arg20 : memref<64x128xf32, #tpu.memory_space<vmem>>) offsets(%dma_start3A_342 : memref<64xi32, #tpu.memory_space<vmem>>) semaphore(%arg22 : memref<!tpu.dma_semaphore, #tpu.memory_space<semaphore_mem>>) {add = true}
    %dma_start3A_346 = arith.constant 512 : i32
    %dma_start3A_347 = tpu.memref_slice %arg15[%dma_start3A_346] : memref<640xi32, #tpu.memory_space<vmem>> -> memref<64xi32, #tpu.memory_space<vmem>>
    %dma_start3A_348 = arith.constant 0 : i32
    %dma_start3A_349 = arith.constant 0 : i32
    %dma_start3A_350 = tpu.memref_slice %arg8[%dma_start3A_348, %dma_start3A_349] : memref<40x128xf32, #tpu.memory_space<hbm>> -> memref<40x128xf32, #tpu.memory_space<hbm>>
    tpu.enqueue_indirect_dma source(%dma_start3A_350 : memref<40x128xf32, #tpu.memory_space<hbm>>) target(%arg20 : memref<64x128xf32, #tpu.memory_space<vmem>>) offsets(%dma_start3A_347 : memref<64xi32, #tpu.memory_space<vmem>>) semaphore(%arg22 : memref<!tpu.dma_semaphore, #tpu.memory_space<semaphore_mem>>) {add = true}
    %dma_wait3A_351 = arith.constant 512 : i32
    %dma_wait3A_352 = tpu.memref_slice %arg14[%dma_wait3A_351] : memref<640xi32, #tpu.memory_space<vmem>> -> memref<64xi32, #tpu.memory_space<vmem>>
    %dma_wait3A_353 = arith.constant 0 : i32
    %dma_wait3A_354 = arith.constant 0 : i32
    %dma_wait3A_355 = tpu.memref_slice %arg7[%dma_wait3A_353, %dma_wait3A_354] : memref<16x128xf32, #tpu.memory_space<hbm>> -> memref<16x128xf32, #tpu.memory_space<hbm>>
    tpu.wait_indirect_dma semaphore(%arg22 : memref<!tpu.dma_semaphore, #tpu.memory_space<semaphore_mem>>) src(%dma_wait3A_355 : memref<16x128xf32, #tpu.memory_space<hbm>>) dst(%arg20 : memref<64x128xf32, #tpu.memory_space<vmem>>)
    %dma_wait3A_356 = arith.constant 512 : i32
    %dma_wait3A_357 = tpu.memref_slice %arg15[%dma_wait3A_356] : memref<640xi32, #tpu.memory_space<vmem>> -> memref<64xi32, #tpu.memory_space<vmem>>
    %dma_wait3A_358 = arith.constant 0 : i32
    %dma_wait3A_359 = arith.constant 0 : i32
    %dma_wait3A_360 = tpu.memref_slice %arg8[%dma_wait3A_358, %dma_wait3A_359] : memref<40x128xf32, #tpu.memory_space<hbm>> -> memref<40x128xf32, #tpu.memory_space<hbm>>
    tpu.wait_indirect_dma semaphore(%arg22 : memref<!tpu.dma_semaphore, #tpu.memory_space<semaphore_mem>>) src(%dma_wait3A_360 : memref<40x128xf32, #tpu.memory_space<hbm>>) dst(%arg20 : memref<64x128xf32, #tpu.memory_space<vmem>>)
    %add3A_361 = arith.constant 512 : i32
    %add3A_362 = arith.addi %mul3A_2, %add3A_361 : i32
    %dma_start3A_363 = arith.constant 0 : i32
    %dma_start3A_364 = tpu.memref_slice %arg10[%add3A_362, %dma_start3A_363] : memref<20480x128xf32, #tpu.memory_space<hbm>> -> memref<64x128xf32, #tpu.memory_space<hbm>>
    %dma_start3A_365 = arith.constant 0 : i32
    %dma_start3A_366 = tpu.memref_slice %arg10[%add3A_362, %dma_start3A_365] : memref<20480x128xf32, #tpu.memory_space<hbm>> -> memref<64x128xf32, #tpu.memory_space<hbm>>
    tpu.enqueue_dma source(%arg20 : memref<64x128xf32, #tpu.memory_space<vmem>>) target(%dma_start3A_366 : memref<64x128xf32, #tpu.memory_space<hbm>>) target_semaphore(%arg24 : memref<!tpu.dma_semaphore, #tpu.memory_space<semaphore_mem>>)
    %dma_wait3A_367 = arith.constant 0 : i32
    %dma_wait3A_368 = arith.constant 0 : i32
    %dma_wait3A_369 = tpu.memref_slice %arg10[%dma_wait3A_367, %dma_wait3A_368] : memref<20480x128xf32, #tpu.memory_space<hbm>> -> memref<64x128xf32, #tpu.memory_space<hbm>>
    %dma_wait3A_370 = arith.constant 0 : i32
    %dma_wait3A_371 = arith.constant 0 : i32
    %dma_wait3A_372 = tpu.memref_slice %arg10[%dma_wait3A_370, %dma_wait3A_371] : memref<20480x128xf32, #tpu.memory_space<hbm>> -> memref<64x128xf32, #tpu.memory_space<hbm>>
    tpu.wait_dma2 semaphore(%arg25 : memref<!tpu.dma_semaphore, #tpu.memory_space<semaphore_mem>>) src(%arg21 : memref<64x128xf32, #tpu.memory_space<vmem>>) dst(%dma_wait3A_372 : memref<64x128xf32, #tpu.memory_space<hbm>>)
    %dma_start3A_373 = arith.constant 576 : i32
    %dma_start3A_374 = tpu.memref_slice %arg13[%dma_start3A_373] : memref<640xi32, #tpu.memory_space<vmem>> -> memref<64xi32, #tpu.memory_space<vmem>>
    %dma_start3A_375 = arith.constant 0 : i32
    %dma_start3A_376 = arith.constant 0 : i32
    %dma_start3A_377 = tpu.memref_slice %arg6[%dma_start3A_375, %dma_start3A_376] : memref<100000x128xf32, #tpu.memory_space<hbm>> -> memref<100000x128xf32, #tpu.memory_space<hbm>>
    tpu.enqueue_indirect_dma source(%dma_start3A_377 : memref<100000x128xf32, #tpu.memory_space<hbm>>) target(%arg21 : memref<64x128xf32, #tpu.memory_space<vmem>>) offsets(%dma_start3A_374 : memref<64xi32, #tpu.memory_space<vmem>>) semaphore(%arg23 : memref<!tpu.dma_semaphore, #tpu.memory_space<semaphore_mem>>)
    %dma_wait3A_378 = arith.constant 576 : i32
    %dma_wait3A_379 = tpu.memref_slice %arg13[%dma_wait3A_378] : memref<640xi32, #tpu.memory_space<vmem>> -> memref<64xi32, #tpu.memory_space<vmem>>
    %dma_wait3A_380 = arith.constant 0 : i32
    %dma_wait3A_381 = arith.constant 0 : i32
    %dma_wait3A_382 = tpu.memref_slice %arg6[%dma_wait3A_380, %dma_wait3A_381] : memref<100000x128xf32, #tpu.memory_space<hbm>> -> memref<100000x128xf32, #tpu.memory_space<hbm>>
    tpu.wait_indirect_dma semaphore(%arg23 : memref<!tpu.dma_semaphore, #tpu.memory_space<semaphore_mem>>) src(%dma_wait3A_382 : memref<100000x128xf32, #tpu.memory_space<hbm>>) dst(%arg21 : memref<64x128xf32, #tpu.memory_space<vmem>>)
    %dma_start3A_383 = arith.constant 576 : i32
    %dma_start3A_384 = tpu.memref_slice %arg14[%dma_start3A_383] : memref<640xi32, #tpu.memory_space<vmem>> -> memref<64xi32, #tpu.memory_space<vmem>>
    %dma_start3A_385 = arith.constant 0 : i32
    %dma_start3A_386 = arith.constant 0 : i32
    %dma_start3A_387 = tpu.memref_slice %arg7[%dma_start3A_385, %dma_start3A_386] : memref<16x128xf32, #tpu.memory_space<hbm>> -> memref<16x128xf32, #tpu.memory_space<hbm>>
    tpu.enqueue_indirect_dma source(%dma_start3A_387 : memref<16x128xf32, #tpu.memory_space<hbm>>) target(%arg21 : memref<64x128xf32, #tpu.memory_space<vmem>>) offsets(%dma_start3A_384 : memref<64xi32, #tpu.memory_space<vmem>>) semaphore(%arg23 : memref<!tpu.dma_semaphore, #tpu.memory_space<semaphore_mem>>) {add = true}
    %dma_start3A_388 = arith.constant 576 : i32
    %dma_start3A_389 = tpu.memref_slice %arg15[%dma_start3A_388] : memref<640xi32, #tpu.memory_space<vmem>> -> memref<64xi32, #tpu.memory_space<vmem>>
    %dma_start3A_390 = arith.constant 0 : i32
    %dma_start3A_391 = arith.constant 0 : i32
    %dma_start3A_392 = tpu.memref_slice %arg8[%dma_start3A_390, %dma_start3A_391] : memref<40x128xf32, #tpu.memory_space<hbm>> -> memref<40x128xf32, #tpu.memory_space<hbm>>
    tpu.enqueue_indirect_dma source(%dma_start3A_392 : memref<40x128xf32, #tpu.memory_space<hbm>>) target(%arg21 : memref<64x128xf32, #tpu.memory_space<vmem>>) offsets(%dma_start3A_389 : memref<64xi32, #tpu.memory_space<vmem>>) semaphore(%arg23 : memref<!tpu.dma_semaphore, #tpu.memory_space<semaphore_mem>>) {add = true}
    %dma_wait3A_393 = arith.constant 576 : i32
    %dma_wait3A_394 = tpu.memref_slice %arg14[%dma_wait3A_393] : memref<640xi32, #tpu.memory_space<vmem>> -> memref<64xi32, #tpu.memory_space<vmem>>
    %dma_wait3A_395 = arith.constant 0 : i32
    %dma_wait3A_396 = arith.constant 0 : i32
    %dma_wait3A_397 = tpu.memref_slice %arg7[%dma_wait3A_395, %dma_wait3A_396] : memref<16x128xf32, #tpu.memory_space<hbm>> -> memref<16x128xf32, #tpu.memory_space<hbm>>
    tpu.wait_indirect_dma semaphore(%arg23 : memref<!tpu.dma_semaphore, #tpu.memory_space<semaphore_mem>>) src(%dma_wait3A_397 : memref<16x128xf32, #tpu.memory_space<hbm>>) dst(%arg21 : memref<64x128xf32, #tpu.memory_space<vmem>>)
    %dma_wait3A_398 = arith.constant 576 : i32
    %dma_wait3A_399 = tpu.memref_slice %arg15[%dma_wait3A_398] : memref<640xi32, #tpu.memory_space<vmem>> -> memref<64xi32, #tpu.memory_space<vmem>>
    %dma_wait3A_400 = arith.constant 0 : i32
    %dma_wait3A_401 = arith.constant 0 : i32
    %dma_wait3A_402 = tpu.memref_slice %arg8[%dma_wait3A_400, %dma_wait3A_401] : memref<40x128xf32, #tpu.memory_space<hbm>> -> memref<40x128xf32, #tpu.memory_space<hbm>>
    tpu.wait_indirect_dma semaphore(%arg23 : memref<!tpu.dma_semaphore, #tpu.memory_space<semaphore_mem>>) src(%dma_wait3A_402 : memref<40x128xf32, #tpu.memory_space<hbm>>) dst(%arg21 : memref<64x128xf32, #tpu.memory_space<vmem>>)
    %add3A_403 = arith.constant 576 : i32
    %add3A_404 = arith.addi %mul3A_2, %add3A_403 : i32
    %dma_start3A_405 = arith.constant 0 : i32
    %dma_start3A_406 = tpu.memref_slice %arg10[%add3A_404, %dma_start3A_405] : memref<20480x128xf32, #tpu.memory_space<hbm>> -> memref<64x128xf32, #tpu.memory_space<hbm>>
    %dma_start3A_407 = arith.constant 0 : i32
    %dma_start3A_408 = tpu.memref_slice %arg10[%add3A_404, %dma_start3A_407] : memref<20480x128xf32, #tpu.memory_space<hbm>> -> memref<64x128xf32, #tpu.memory_space<hbm>>
    tpu.enqueue_dma source(%arg21 : memref<64x128xf32, #tpu.memory_space<vmem>>) target(%dma_start3A_408 : memref<64x128xf32, #tpu.memory_space<hbm>>) target_semaphore(%arg25 : memref<!tpu.dma_semaphore, #tpu.memory_space<semaphore_mem>>)
    "tpu.region"() ({
      %run_scoped3A = tpu.sem_alloc : memref<!tpu.dma_semaphore, #tpu.memory_space<semaphore_mem>>
      tpu.enqueue_dma source(%arg9 : memref<33792xf32, #tpu.memory_space<hbm>>) target(%arg16 : memref<33792xf32, #tpu.memory_space<vmem>>) target_semaphore(%run_scoped3A : memref<!tpu.dma_semaphore, #tpu.memory_space<semaphore_mem>>)
      tpu.wait_dma2 semaphore(%run_scoped3A : memref<!tpu.dma_semaphore, #tpu.memory_space<semaphore_mem>>) src(%arg9 : memref<33792xf32, #tpu.memory_space<hbm>>) dst(%arg16 : memref<33792xf32, #tpu.memory_space<vmem>>)
      tpu.yield
    }) : () -> ()
    %dma_wait3A_409 = arith.constant 0 : i32
    %dma_wait3A_410 = arith.constant 0 : i32
    %dma_wait3A_411 = tpu.memref_slice %arg10[%dma_wait3A_409, %dma_wait3A_410] : memref<20480x128xf32, #tpu.memory_space<hbm>> -> memref<64x128xf32, #tpu.memory_space<hbm>>
    %dma_wait3A_412 = arith.constant 0 : i32
    %dma_wait3A_413 = arith.constant 0 : i32
    %dma_wait3A_414 = tpu.memref_slice %arg10[%dma_wait3A_412, %dma_wait3A_413] : memref<20480x128xf32, #tpu.memory_space<hbm>> -> memref<64x128xf32, #tpu.memory_space<hbm>>
    tpu.wait_dma2 semaphore(%arg24 : memref<!tpu.dma_semaphore, #tpu.memory_space<semaphore_mem>>) src(%arg20 : memref<64x128xf32, #tpu.memory_space<vmem>>) dst(%dma_wait3A_414 : memref<64x128xf32, #tpu.memory_space<hbm>>)
    %dma_wait3A_415 = arith.constant 0 : i32
    %dma_wait3A_416 = arith.constant 0 : i32
    %dma_wait3A_417 = tpu.memref_slice %arg10[%dma_wait3A_415, %dma_wait3A_416] : memref<20480x128xf32, #tpu.memory_space<hbm>> -> memref<64x128xf32, #tpu.memory_space<hbm>>
    %dma_wait3A_418 = arith.constant 0 : i32
    %dma_wait3A_419 = arith.constant 0 : i32
    %dma_wait3A_420 = tpu.memref_slice %arg10[%dma_wait3A_418, %dma_wait3A_419] : memref<20480x128xf32, #tpu.memory_space<hbm>> -> memref<64x128xf32, #tpu.memory_space<hbm>>
    tpu.wait_dma2 semaphore(%arg25 : memref<!tpu.dma_semaphore, #tpu.memory_space<semaphore_mem>>) src(%arg21 : memref<64x128xf32, #tpu.memory_space<vmem>>) dst(%dma_wait3A_420 : memref<64x128xf32, #tpu.memory_space<hbm>>)
    %scan3A = arith.constant 0 : i32
    %scan3A_421 = arith.constant 0 : i32
    %scan3A_422 = arith.constant 25 : i32
    %scan3A_423 = arith.addi %scan3A_421, %scan3A_422 : i32
    %scan3A_424 = arith.constant 1 : i32
    scf.for %scan3A_446 = %scan3A_421 to %scan3A_423 step %scan3A_424  : i32 {
      %mul3A_447 = arith.constant 25 : i32
      %mul3A_448 = arith.muli %add3A, %mul3A_447 : i32
      %add3A_449 = arith.addi %mul3A_448, %scan3A_446 : i32
      %jit3A = arith.constant 2 : i32
      %div3A = arith.divsi %add3A_449, %jit3A : i32
      %sign3A = arith.constant 0 : i32
      %sign3A_450 = arith.cmpi sgt, %add3A_449, %sign3A : i32
      %sign3A_451 = arith.extui %sign3A_450 : i1 to i32
      %sign3A_452 = arith.constant 0 : i32
      %sign3A_453 = arith.cmpi slt, %add3A_449, %sign3A_452 : i32
      %sign3A_454 = arith.extui %sign3A_453 : i1 to i32
      %sign3A_455 = arith.subi %sign3A_451, %sign3A_454 : i32
      %sign3A_456 = arith.constant 0 : i32
      %sign3A_457 = arith.cmpi sgt, %jit3A, %sign3A_456 : i32
      %sign3A_458 = arith.extui %sign3A_457 : i1 to i32
      %sign3A_459 = arith.constant 0 : i32
      %sign3A_460 = arith.cmpi slt, %jit3A, %sign3A_459 : i32
      %sign3A_461 = arith.extui %sign3A_460 : i1 to i32
      %sign3A_462 = arith.subi %sign3A_458, %sign3A_461 : i32
      %ne3A = arith.cmpi ne, %sign3A_455, %sign3A_462 : i32
      %rem3A = arith.remsi %add3A_449, %jit3A : i32
      %ne3A_463 = arith.constant 0 : i32
      %ne3A_464 = arith.cmpi ne, %rem3A, %ne3A_463 : i32
      %and3A = arith.andi %ne3A, %ne3A_464 : i1
      %sub3A = arith.constant 1 : i32
      %sub3A_465 = arith.subi %div3A, %sub3A : i32
      %select_n3A = arith.select %and3A, %sub3A_465, %div3A : i32
      %jit3A_466 = arith.constant 20 : i32
      %div3A_467 = arith.divsi %select_n3A, %jit3A_466 : i32
      %sign3A_468 = arith.constant 0 : i32
      %sign3A_469 = arith.cmpi sgt, %select_n3A, %sign3A_468 : i32
      %sign3A_470 = arith.extui %sign3A_469 : i1 to i32
      %sign3A_471 = arith.constant 0 : i32
      %sign3A_472 = arith.cmpi slt, %select_n3A, %sign3A_471 : i32
      %sign3A_473 = arith.extui %sign3A_472 : i1 to i32
      %sign3A_474 = arith.subi %sign3A_470, %sign3A_473 : i32
      %sign3A_475 = arith.constant 0 : i32
      %sign3A_476 = arith.cmpi sgt, %jit3A_466, %sign3A_475 : i32
      %sign3A_477 = arith.extui %sign3A_476 : i1 to i32
      %sign3A_478 = arith.constant 0 : i32
      %sign3A_479 = arith.cmpi slt, %jit3A_466, %sign3A_478 : i32
      %sign3A_480 = arith.extui %sign3A_479 : i1 to i32
      %sign3A_481 = arith.subi %sign3A_477, %sign3A_480 : i32
      %ne3A_482 = arith.cmpi ne, %sign3A_474, %sign3A_481 : i32
      %rem3A_483 = arith.remsi %select_n3A, %jit3A_466 : i32
      %ne3A_484 = arith.constant 0 : i32
      %ne3A_485 = arith.cmpi ne, %rem3A_483, %ne3A_484 : i32
      %and3A_486 = arith.andi %ne3A_482, %ne3A_485 : i1
      %sub3A_487 = arith.constant 1 : i32
      %sub3A_488 = arith.subi %div3A_467, %sub3A_487 : i32
      %select_n3A_489 = arith.select %and3A_486, %sub3A_488, %div3A_467 : i32
      %jit3A_490 = arith.constant 20 : i32
      %eq3A = arith.constant 0 : i32
      %eq3A_491 = arith.cmpi eq, %jit3A_490, %eq3A : i32
      %jit3A_492 = arith.constant 1 : i32
      %select_n3A_493 = arith.select %eq3A_491, %jit3A_492, %jit3A_490 : i32
      %rem3A_494 = arith.remsi %select_n3A, %select_n3A_493 : i32
      %ne3A_495 = arith.constant 0 : i32
      %ne3A_496 = arith.cmpi ne, %rem3A_494, %ne3A_495 : i32
      %lt3A = arith.constant 0 : i32
      %lt3A_497 = arith.cmpi slt, %rem3A_494, %lt3A : i32
      %lt3A_498 = arith.constant 0 : i32
      %lt3A_499 = arith.cmpi slt, %select_n3A_493, %lt3A_498 : i32
      %ne3A_500 = arith.xori %lt3A_497, %lt3A_499 : i1
      %and3A_501 = arith.andi %ne3A_500, %ne3A_496 : i1
      %add3A_502 = arith.addi %rem3A_494, %select_n3A_493 : i32
      %select_n3A_503 = arith.select %and3A_501, %add3A_502, %rem3A_494 : i32
      %jit3A_504 = arith.constant 2 : i32
      %eq3A_505 = arith.constant 0 : i32
      %eq3A_506 = arith.cmpi eq, %jit3A_504, %eq3A_505 : i32
      %jit3A_507 = arith.constant 1 : i32
      %select_n3A_508 = arith.select %eq3A_506, %jit3A_507, %jit3A_504 : i32
      %rem3A_509 = arith.remsi %add3A_449, %select_n3A_508 : i32
      %ne3A_510 = arith.constant 0 : i32
      %ne3A_511 = arith.cmpi ne, %rem3A_509, %ne3A_510 : i32
      %lt3A_512 = arith.constant 0 : i32
      %lt3A_513 = arith.cmpi slt, %rem3A_509, %lt3A_512 : i32
      %lt3A_514 = arith.constant 0 : i32
      %lt3A_515 = arith.cmpi slt, %select_n3A_508, %lt3A_514 : i32
      %ne3A_516 = arith.xori %lt3A_513, %lt3A_515 : i1
      %and3A_517 = arith.andi %ne3A_516, %ne3A_511 : i1
      %add3A_518 = arith.addi %rem3A_509, %select_n3A_508 : i32
      %select_n3A_519 = arith.select %and3A_517, %add3A_518, %rem3A_509 : i32
      %mul3A_520 = arith.constant 32 : i32
      %mul3A_521 = arith.muli %select_n3A_519, %mul3A_520 : i32
      %eq3A_522 = arith.constant 0 : i32
      %eq3A_523 = arith.cmpi eq, %scan3A_446, %eq3A_522 : i32
      %jit3A_524 = arith.constant 2 : i32
      %eq3A_525 = arith.constant 0 : i32
      %eq3A_526 = arith.cmpi eq, %jit3A_524, %eq3A_525 : i32
      %jit3A_527 = arith.constant 1 : i32
      %select_n3A_528 = arith.select %eq3A_526, %jit3A_527, %jit3A_524 : i32
      %rem3A_529 = arith.remsi %add3A_449, %select_n3A_528 : i32
      %ne3A_530 = arith.constant 0 : i32
      %ne3A_531 = arith.cmpi ne, %rem3A_529, %ne3A_530 : i32
      %lt3A_532 = arith.constant 0 : i32
      %lt3A_533 = arith.cmpi slt, %rem3A_529, %lt3A_532 : i32
      %lt3A_534 = arith.constant 0 : i32
      %lt3A_535 = arith.cmpi slt, %select_n3A_528, %lt3A_534 : i32
      %ne3A_536 = arith.xori %lt3A_533, %lt3A_535 : i1
      %and3A_537 = arith.andi %ne3A_536, %ne3A_531 : i1
      %add3A_538 = arith.addi %rem3A_529, %select_n3A_528 : i32
      %select_n3A_539 = arith.select %and3A_537, %add3A_538, %rem3A_529 : i32
      %eq3A_540 = arith.constant 0 : i32
      %eq3A_541 = arith.cmpi eq, %select_n3A_539, %eq3A_540 : i32
      %or3A = arith.ori %eq3A_523, %eq3A_541 : i1
      %convert_element_type3A = arith.extui %or3A : i1 to i32
      %cond3A = arith.constant 0 : i32
      %cond3A_542 = arith.cmpi ne, %convert_element_type3A, %cond3A : i32
      scf.if %cond3A_542 {
        "tpu.region"() ({
          %run_scoped3A = tpu.sem_alloc : memref<!tpu.dma_semaphore, #tpu.memory_space<semaphore_mem>>
          %dma_start3A_582 = arith.constant 0 : i32
          %dma_start3A_583 = tpu.memref_slice %arg5[%select_n3A_489, %select_n3A_503, %dma_start3A_582] : memref<20x20x1024xi32, #tpu.memory_space<hbm>> -> memref<1x1x1024xi32, #tpu.memory_space<hbm>>
          %dma_start3A_584 = tpu.memref_squeeze %dma_start3A_583 : memref<1x1x1024xi32, #tpu.memory_space<hbm>> -> memref<1024xi32, #tpu.memory_space<hbm>>
          %dma_start3A_585 = arith.constant 0 : i32
          %dma_start3A_586 = tpu.memref_slice %arg5[%select_n3A_489, %select_n3A_503, %dma_start3A_585] : memref<20x20x1024xi32, #tpu.memory_space<hbm>> -> memref<1x1x1024xi32, #tpu.memory_space<hbm>>
          %dma_start3A_587 = tpu.memref_squeeze %dma_start3A_586 : memref<1x1x1024xi32, #tpu.memory_space<hbm>> -> memref<1024xi32, #tpu.memory_space<hbm>>
          tpu.enqueue_dma source(%dma_start3A_587 : memref<1024xi32, #tpu.memory_space<hbm>>) target(%arg17 : memref<1024xi32, #tpu.memory_space<vmem>>) target_semaphore(%run_scoped3A : memref<!tpu.dma_semaphore, #tpu.memory_space<semaphore_mem>>)
          %dma_wait3A_588 = arith.constant 0 : i32
          %dma_wait3A_589 = tpu.memref_slice %arg5[%select_n3A_489, %select_n3A_503, %dma_wait3A_588] : memref<20x20x1024xi32, #tpu.memory_space<hbm>> -> memref<1x1x1024xi32, #tpu.memory_space<hbm>>
          %dma_wait3A_590 = tpu.memref_squeeze %dma_wait3A_589 : memref<1x1x1024xi32, #tpu.memory_space<hbm>> -> memref<1024xi32, #tpu.memory_space<hbm>>
          %dma_wait3A_591 = arith.constant 0 : i32
          %dma_wait3A_592 = tpu.memref_slice %arg5[%select_n3A_489, %select_n3A_503, %dma_wait3A_591] : memref<20x20x1024xi32, #tpu.memory_space<hbm>> -> memref<1x1x1024xi32, #tpu.memory_space<hbm>>
          %dma_wait3A_593 = tpu.memref_squeeze %dma_wait3A_592 : memref<1x1x1024xi32, #tpu.memory_space<hbm>> -> memref<1024xi32, #tpu.memory_space<hbm>>
          tpu.wait_dma2 semaphore(%run_scoped3A : memref<!tpu.dma_semaphore, #tpu.memory_space<semaphore_mem>>) src(%dma_wait3A_593 : memref<1024xi32, #tpu.memory_space<hbm>>) dst(%arg17 : memref<1024xi32, #tpu.memory_space<vmem>>)
          tpu.yield
        }) : () -> ()
      } else {
      }
      %mul3A_543 = arith.constant 264 : i32
      %mul3A_544 = arith.muli %mul3A_521, %mul3A_543 : i32
      %add3A_545 = arith.constant 64 : i32
      %add3A_546 = arith.addi %add3A_545, %mul3A_521 : i32
      %mul3A_547 = arith.constant 264 : i32
      %mul3A_548 = arith.muli %add3A_546, %mul3A_547 : i32
      %gt3A = arith.constant 0 : i32
      %gt3A_549 = arith.cmpi sgt, %scan3A_446, %gt3A : i32
      %convert_element_type3A_550 = arith.extui %gt3A_549 : i1 to i32
      %cond3A_551 = arith.constant 0 : i32
      %cond3A_552 = arith.cmpi ne, %convert_element_type3A_550, %cond3A_551 : i32
      scf.if %cond3A_552 {
        %dma_wait3A_582 = arith.constant 0 : i32
        %dma_wait3A_583 = arith.constant 0 : i32
        %dma_wait3A_584 = arith.constant 0 : i32
        %dma_wait3A_585 = arith.constant 0 : i32
        %dma_wait3A_586 = tpu.memref_slice %arg11[%dma_wait3A_582, %dma_wait3A_583, %dma_wait3A_584, %dma_wait3A_585] : memref<20x20x64x1024xf32, #tpu.memory_space<hbm>> -> memref<1x1x32x1024xf32, #tpu.memory_space<hbm>>
        %dma_wait3A_587 = tpu.memref_squeeze %dma_wait3A_586 : memref<1x1x32x1024xf32, #tpu.memory_space<hbm>> -> memref<32x1024xf32, #tpu.memory_space<hbm>>
        %dma_wait3A_588 = arith.constant 0 : i32
        %dma_wait3A_589 = arith.constant 0 : i32
        %dma_wait3A_590 = tpu.memref_slice %arg11[%dma_wait3A_582, %dma_wait3A_583, %dma_wait3A_588, %dma_wait3A_589] : memref<20x20x64x1024xf32, #tpu.memory_space<hbm>> -> memref<1x1x32x1024xf32, #tpu.memory_space<hbm>>
        %dma_wait3A_591 = tpu.memref_squeeze %dma_wait3A_590 : memref<1x1x32x1024xf32, #tpu.memory_space<hbm>> -> memref<32x1024xf32, #tpu.memory_space<hbm>>
        tpu.wait_dma2 semaphore(%arg24 : memref<!tpu.dma_semaphore, #tpu.memory_space<semaphore_mem>>) src(%arg18 : memref<32x1024xf32, #tpu.memory_space<vmem>>) dst(%dma_wait3A_591 : memref<32x1024xf32, #tpu.memory_space<hbm>>)
      } else {
      }
      %scan3A_553 = arith.constant 0 : i32
      %scan3A_554 = arith.constant 0 : i32
      %scan3A_555 = arith.constant 64 : i32
      %scan3A_556 = arith.addi %scan3A_554, %scan3A_555 : i32
      %scan3A_557 = arith.constant 1 : i32
      scf.for %scan3A_582 = %scan3A_554 to %scan3A_556 step %scan3A_557  : i32 {
        %mul3A_583 = arith.constant 16 : i32
        %mul3A_584 = arith.muli %scan3A_582, %mul3A_583 : i32
        %get3A = arith.index_cast %mul3A_584 : i32 to index
        %get3A_585 = tpu.vector_load %arg17[%get3A] {strides = array<i32>} : memref<1024xi32, #tpu.memory_space<vmem>>, vector<16xi32>,
        %gather3A = tpu.memref_slice %arg16[%mul3A_544] : memref<33792xf32, #tpu.memory_space<vmem>> -> memref<8448xf32, #tpu.memory_space<vmem>>
        %gather3A_586 = arith.constant 0 : i32
        %gather3A_587 = tpu.memref_slice %gather3A[%gather3A_586] : memref<8448xf32, #tpu.memory_space<vmem>> -> memref<264xf32, #tpu.memory_space<vmem>>
        %gather3A_588 = tpu.vector_load_idx %gather3A_587[%get3A_585] : memref<264xf32, #tpu.memory_space<vmem>>[vector<16xi32>], vector<16xf32>,
        %gather3A_589 = tpu.memref_slice %arg16[%mul3A_544] : memref<33792xf32, #tpu.memory_space<vmem>> -> memref<8448xf32, #tpu.memory_space<vmem>>
        %gather3A_590 = arith.constant 264 : i32
        %gather3A_591 = tpu.memref_slice %gather3A_589[%gather3A_590] : memref<8448xf32, #tpu.memory_space<vmem>> -> memref<264xf32, #tpu.memory_space<vmem>>
        %gather3A_592 = tpu.vector_load_idx %gather3A_591[%get3A_585] : memref<264xf32, #tpu.memory_space<vmem>>[vector<16xi32>], vector<16xf32>,
        %gather3A_593 = tpu.memref_slice %arg16[%mul3A_544] : memref<33792xf32, #tpu.memory_space<vmem>> -> memref<8448xf32, #tpu.memory_space<vmem>>
        %gather3A_594 = arith.constant 528 : i32
        %gather3A_595 = tpu.memref_slice %gather3A_593[%gather3A_594] : memref<8448xf32, #tpu.memory_space<vmem>> -> memref<264xf32, #tpu.memory_space<vmem>>
        %gather3A_596 = tpu.vector_load_idx %gather3A_595[%get3A_585] : memref<264xf32, #tpu.memory_space<vmem>>[vector<16xi32>], vector<16xf32>,
        %gather3A_597 = tpu.memref_slice %arg16[%mul3A_544] : memref<33792xf32, #tpu.memory_space<vmem>> -> memref<8448xf32, #tpu.memory_space<vmem>>
        %gather3A_598 = arith.constant 792 : i32
        %gather3A_599 = tpu.memref_slice %gather3A_597[%gather3A_598] : memref<8448xf32, #tpu.memory_space<vmem>> -> memref<264xf32, #tpu.memory_space<vmem>>
        %gather3A_600 = tpu.vector_load_idx %gather3A_599[%get3A_585] : memref<264xf32, #tpu.memory_space<vmem>>[vector<16xi32>], vector<16xf32>,
        %gather3A_601 = tpu.memref_slice %arg16[%mul3A_544] : memref<33792xf32, #tpu.memory_space<vmem>> -> memref<8448xf32, #tpu.memory_space<vmem>>
        %gather3A_602 = arith.constant 1056 : i32
        %gather3A_603 = tpu.memref_slice %gather3A_601[%gather3A_602] : memref<8448xf32, #tpu.memory_space<vmem>> -> memref<264xf32, #tpu.memory_space<vmem>>
        %gather3A_604 = tpu.vector_load_idx %gather3A_603[%get3A_585] : memref<264xf32, #tpu.memory_space<vmem>>[vector<16xi32>], vector<16xf32>,
        %gather3A_605 = tpu.memref_slice %arg16[%mul3A_544] : memref<33792xf32, #tpu.memory_space<vmem>> -> memref<8448xf32, #tpu.memory_space<vmem>>
        %gather3A_606 = arith.constant 1320 : i32
        %gather3A_607 = tpu.memref_slice %gather3A_605[%gather3A_606] : memref<8448xf32, #tpu.memory_space<vmem>> -> memref<264xf32, #tpu.memory_space<vmem>>
        %gather3A_608 = tpu.vector_load_idx %gather3A_607[%get3A_585] : memref<264xf32, #tpu.memory_space<vmem>>[vector<16xi32>], vector<16xf32>,
        %gather3A_609 = tpu.memref_slice %arg16[%mul3A_544] : memref<33792xf32, #tpu.memory_space<vmem>> -> memref<8448xf32, #tpu.memory_space<vmem>>
        %gather3A_610 = arith.constant 1584 : i32
        %gather3A_611 = tpu.memref_slice %gather3A_609[%gather3A_610] : memref<8448xf32, #tpu.memory_space<vmem>> -> memref<264xf32, #tpu.memory_space<vmem>>
        %gather3A_612 = tpu.vector_load_idx %gather3A_611[%get3A_585] : memref<264xf32, #tpu.memory_space<vmem>>[vector<16xi32>], vector<16xf32>,
        %gather3A_613 = tpu.memref_slice %arg16[%mul3A_544] : memref<33792xf32, #tpu.memory_space<vmem>> -> memref<8448xf32, #tpu.memory_space<vmem>>
        %gather3A_614 = arith.constant 1848 : i32
        %gather3A_615 = tpu.memref_slice %gather3A_613[%gather3A_614] : memref<8448xf32, #tpu.memory_space<vmem>> -> memref<264xf32, #tpu.memory_space<vmem>>
        %gather3A_616 = tpu.vector_load_idx %gather3A_615[%get3A_585] : memref<264xf32, #tpu.memory_space<vmem>>[vector<16xi32>], vector<16xf32>,
        %gather3A_617 = tpu.memref_slice %arg16[%mul3A_544] : memref<33792xf32, #tpu.memory_space<vmem>> -> memref<8448xf32, #tpu.memory_space<vmem>>
        %gather3A_618 = arith.constant 2112 : i32
        %gather3A_619 = tpu.memref_slice %gather3A_617[%gather3A_618] : memref<8448xf32, #tpu.memory_space<vmem>> -> memref<264xf32, #tpu.memory_space<vmem>>
        %gather3A_620 = tpu.vector_load_idx %gather3A_619[%get3A_585] : memref<264xf32, #tpu.memory_space<vmem>>[vector<16xi32>], vector<16xf32>,
        %gather3A_621 = tpu.memref_slice %arg16[%mul3A_544] : memref<33792xf32, #tpu.memory_space<vmem>> -> memref<8448xf32, #tpu.memory_space<vmem>>
        %gather3A_622 = arith.constant 2376 : i32
        %gather3A_623 = tpu.memref_slice %gather3A_621[%gather3A_622] : memref<8448xf32, #tpu.memory_space<vmem>> -> memref<264xf32, #tpu.memory_space<vmem>>
        %gather3A_624 = tpu.vector_load_idx %gather3A_623[%get3A_585] : memref<264xf32, #tpu.memory_space<vmem>>[vector<16xi32>], vector<16xf32>,
        %gather3A_625 = tpu.memref_slice %arg16[%mul3A_544] : memref<33792xf32, #tpu.memory_space<vmem>> -> memref<8448xf32, #tpu.memory_space<vmem>>
        %gather3A_626 = arith.constant 2640 : i32
        %gather3A_627 = tpu.memref_slice %gather3A_625[%gather3A_626] : memref<8448xf32, #tpu.memory_space<vmem>> -> memref<264xf32, #tpu.memory_space<vmem>>
        %gather3A_628 = tpu.vector_load_idx %gather3A_627[%get3A_585] : memref<264xf32, #tpu.memory_space<vmem>>[vector<16xi32>], vector<16xf32>,
        %gather3A_629 = tpu.memref_slice %arg16[%mul3A_544] : memref<33792xf32, #tpu.memory_space<vmem>> -> memref<8448xf32, #tpu.memory_space<vmem>>
        %gather3A_630 = arith.constant 2904 : i32
        %gather3A_631 = tpu.memref_slice %gather3A_629[%gather3A_630] : memref<8448xf32, #tpu.memory_space<vmem>> -> memref<264xf32, #tpu.memory_space<vmem>>
        %gather3A_632 = tpu.vector_load_idx %gather3A_631[%get3A_585] : memref<264xf32, #tpu.memory_space<vmem>>[vector<16xi32>], vector<16xf32>,
        %gather3A_633 = tpu.memref_slice %arg16[%mul3A_544] : memref<33792xf32, #tpu.memory_space<vmem>> -> memref<8448xf32, #tpu.memory_space<vmem>>
        %gather3A_634 = arith.constant 3168 : i32
        %gather3A_635 = tpu.memref_slice %gather3A_633[%gather3A_634] : memref<8448xf32, #tpu.memory_space<vmem>> -> memref<264xf32, #tpu.memory_space<vmem>>
        %gather3A_636 = tpu.vector_load_idx %gather3A_635[%get3A_585] : memref<264xf32, #tpu.memory_space<vmem>>[vector<16xi32>], vector<16xf32>,
        %gather3A_637 = tpu.memref_slice %arg16[%mul3A_544] : memref<33792xf32, #tpu.memory_space<vmem>> -> memref<8448xf32, #tpu.memory_space<vmem>>
        %gather3A_638 = arith.constant 3432 : i32
        %gather3A_639 = tpu.memref_slice %gather3A_637[%gather3A_638] : memref<8448xf32, #tpu.memory_space<vmem>> -> memref<264xf32, #tpu.memory_space<vmem>>
        %gather3A_640 = tpu.vector_load_idx %gather3A_639[%get3A_585] : memref<264xf32, #tpu.memory_space<vmem>>[vector<16xi32>], vector<16xf32>,
        %gather3A_641 = tpu.memref_slice %arg16[%mul3A_544] : memref<33792xf32, #tpu.memory_space<vmem>> -> memref<8448xf32, #tpu.memory_space<vmem>>
        %gather3A_642 = arith.constant 3696 : i32
        %gather3A_643 = tpu.memref_slice %gather3A_641[%gather3A_642] : memref<8448xf32, #tpu.memory_space<vmem>> -> memref<264xf32, #tpu.memory_space<vmem>>
        %gather3A_644 = tpu.vector_load_idx %gather3A_643[%get3A_585] : memref<264xf32, #tpu.memory_space<vmem>>[vector<16xi32>], vector<16xf32>,
        %gather3A_645 = tpu.memref_slice %arg16[%mul3A_544] : memref<33792xf32, #tpu.memory_space<vmem>> -> memref<8448xf32, #tpu.memory_space<vmem>>
        %gather3A_646 = arith.constant 3960 : i32
        %gather3A_647 = tpu.memref_slice %gather3A_645[%gather3A_646] : memref<8448xf32, #tpu.memory_space<vmem>> -> memref<264xf32, #tpu.memory_space<vmem>>
        %gather3A_648 = tpu.vector_load_idx %gather3A_647[%get3A_585] : memref<264xf32, #tpu.memory_space<vmem>>[vector<16xi32>], vector<16xf32>,
        %swap3A = arith.constant 0 : i32
        %swap3A_649 = arith.index_cast %swap3A : i32 to index
        %swap3A_650 = arith.index_cast %mul3A_584 : i32 to index
        %swap3A_651 = tpu.vector_load %arg18[%swap3A_649, %swap3A_650] {strides = array<i32>} : memref<32x1024xf32, #tpu.memory_space<vmem>>, vector<16xf32>,
        tpu.vector_store %arg18[%swap3A_649, %swap3A_650], %gather3A_588 {strides = array<i32>} : memref<32x1024xf32, #tpu.memory_space<vmem>>, vector<16xf32>,
        %swap3A_652 = arith.constant 1 : i32
        %swap3A_653 = arith.index_cast %swap3A_652 : i32 to index
        %swap3A_654 = arith.index_cast %mul3A_584 : i32 to index
        %swap3A_655 = tpu.vector_load %arg18[%swap3A_653, %swap3A_654] {strides = array<i32>} : memref<32x1024xf32, #tpu.memory_space<vmem>>, vector<16xf32>,
        tpu.vector_store %arg18[%swap3A_653, %swap3A_654], %gather3A_592 {strides = array<i32>} : memref<32x1024xf32, #tpu.memory_space<vmem>>, vector<16xf32>,
        %swap3A_656 = arith.constant 2 : i32
        %swap3A_657 = arith.index_cast %swap3A_656 : i32 to index
        %swap3A_658 = arith.index_cast %mul3A_584 : i32 to index
        %swap3A_659 = tpu.vector_load %arg18[%swap3A_657, %swap3A_658] {strides = array<i32>} : memref<32x1024xf32, #tpu.memory_space<vmem>>, vector<16xf32>,
        tpu.vector_store %arg18[%swap3A_657, %swap3A_658], %gather3A_596 {strides = array<i32>} : memref<32x1024xf32, #tpu.memory_space<vmem>>, vector<16xf32>,
        %swap3A_660 = arith.constant 3 : i32
        %swap3A_661 = arith.index_cast %swap3A_660 : i32 to index
        %swap3A_662 = arith.index_cast %mul3A_584 : i32 to index
        %swap3A_663 = tpu.vector_load %arg18[%swap3A_661, %swap3A_662] {strides = array<i32>} : memref<32x1024xf32, #tpu.memory_space<vmem>>, vector<16xf32>,
        tpu.vector_store %arg18[%swap3A_661, %swap3A_662], %gather3A_600 {strides = array<i32>} : memref<32x1024xf32, #tpu.memory_space<vmem>>, vector<16xf32>,
        %swap3A_664 = arith.constant 4 : i32
        %swap3A_665 = arith.index_cast %swap3A_664 : i32 to index
        %swap3A_666 = arith.index_cast %mul3A_584 : i32 to index
        %swap3A_667 = tpu.vector_load %arg18[%swap3A_665, %swap3A_666] {strides = array<i32>} : memref<32x1024xf32, #tpu.memory_space<vmem>>, vector<16xf32>,
        tpu.vector_store %arg18[%swap3A_665, %swap3A_666], %gather3A_604 {strides = array<i32>} : memref<32x1024xf32, #tpu.memory_space<vmem>>, vector<16xf32>,
        %swap3A_668 = arith.constant 5 : i32
        %swap3A_669 = arith.index_cast %swap3A_668 : i32 to index
        %swap3A_670 = arith.index_cast %mul3A_584 : i32 to index
        %swap3A_671 = tpu.vector_load %arg18[%swap3A_669, %swap3A_670] {strides = array<i32>} : memref<32x1024xf32, #tpu.memory_space<vmem>>, vector<16xf32>,
        tpu.vector_store %arg18[%swap3A_669, %swap3A_670], %gather3A_608 {strides = array<i32>} : memref<32x1024xf32, #tpu.memory_space<vmem>>, vector<16xf32>,
        %swap3A_672 = arith.constant 6 : i32
        %swap3A_673 = arith.index_cast %swap3A_672 : i32 to index
        %swap3A_674 = arith.index_cast %mul3A_584 : i32 to index
        %swap3A_675 = tpu.vector_load %arg18[%swap3A_673, %swap3A_674] {strides = array<i32>} : memref<32x1024xf32, #tpu.memory_space<vmem>>, vector<16xf32>,
        tpu.vector_store %arg18[%swap3A_673, %swap3A_674], %gather3A_612 {strides = array<i32>} : memref<32x1024xf32, #tpu.memory_space<vmem>>, vector<16xf32>,
        %swap3A_676 = arith.constant 7 : i32
        %swap3A_677 = arith.index_cast %swap3A_676 : i32 to index
        %swap3A_678 = arith.index_cast %mul3A_584 : i32 to index
        %swap3A_679 = tpu.vector_load %arg18[%swap3A_677, %swap3A_678] {strides = array<i32>} : memref<32x1024xf32, #tpu.memory_space<vmem>>, vector<16xf32>,
        tpu.vector_store %arg18[%swap3A_677, %swap3A_678], %gather3A_616 {strides = array<i32>} : memref<32x1024xf32, #tpu.memory_space<vmem>>, vector<16xf32>,
        %gather3A_680 = tpu.memref_slice %arg16[%mul3A_544] : memref<33792xf32, #tpu.memory_space<vmem>> -> memref<8448xf32, #tpu.memory_space<vmem>>
        %gather3A_681 = arith.constant 4224 : i32
        %gather3A_682 = tpu.memref_slice %gather3A_680[%gather3A_681] : memref<8448xf32, #tpu.memory_space<vmem>> -> memref<264xf32, #tpu.memory_space<vmem>>
        %gather3A_683 = tpu.vector_load_idx %gather3A_682[%get3A_585] : memref<264xf32, #tpu.memory_space<vmem>>[vector<16xi32>], vector<16xf32>,
        %gather3A_684 = tpu.memref_slice %arg16[%mul3A_544] : memref<33792xf32, #tpu.memory_space<vmem>> -> memref<8448xf32, #tpu.memory_space<vmem>>
        %gather3A_685 = arith.constant 4488 : i32
        %gather3A_686 = tpu.memref_slice %gather3A_684[%gather3A_685] : memref<8448xf32, #tpu.memory_space<vmem>> -> memref<264xf32, #tpu.memory_space<vmem>>
        %gather3A_687 = tpu.vector_load_idx %gather3A_686[%get3A_585] : memref<264xf32, #tpu.memory_space<vmem>>[vector<16xi32>], vector<16xf32>,
        %gather3A_688 = tpu.memref_slice %arg16[%mul3A_544] : memref<33792xf32, #tpu.memory_space<vmem>> -> memref<8448xf32, #tpu.memory_space<vmem>>
        %gather3A_689 = arith.constant 4752 : i32
        %gather3A_690 = tpu.memref_slice %gather3A_688[%gather3A_689] : memref<8448xf32, #tpu.memory_space<vmem>> -> memref<264xf32, #tpu.memory_space<vmem>>
        %gather3A_691 = tpu.vector_load_idx %gather3A_690[%get3A_585] : memref<264xf32, #tpu.memory_space<vmem>>[vector<16xi32>], vector<16xf32>,
        %gather3A_692 = tpu.memref_slice %arg16[%mul3A_544] : memref<33792xf32, #tpu.memory_space<vmem>> -> memref<8448xf32, #tpu.memory_space<vmem>>
        %gather3A_693 = arith.constant 5016 : i32
        %gather3A_694 = tpu.memref_slice %gather3A_692[%gather3A_693] : memref<8448xf32, #tpu.memory_space<vmem>> -> memref<264xf32, #tpu.memory_space<vmem>>
        %gather3A_695 = tpu.vector_load_idx %gather3A_694[%get3A_585] : memref<264xf32, #tpu.memory_space<vmem>>[vector<16xi32>], vector<16xf32>,
        %gather3A_696 = tpu.memref_slice %arg16[%mul3A_544] : memref<33792xf32, #tpu.memory_space<vmem>> -> memref<8448xf32, #tpu.memory_space<vmem>>
        %gather3A_697 = arith.constant 5280 : i32
        %gather3A_698 = tpu.memref_slice %gather3A_696[%gather3A_697] : memref<8448xf32, #tpu.memory_space<vmem>> -> memref<264xf32, #tpu.memory_space<vmem>>
        %gather3A_699 = tpu.vector_load_idx %gather3A_698[%get3A_585] : memref<264xf32, #tpu.memory_space<vmem>>[vector<16xi32>], vector<16xf32>,
        %gather3A_700 = tpu.memref_slice %arg16[%mul3A_544] : memref<33792xf32, #tpu.memory_space<vmem>> -> memref<8448xf32, #tpu.memory_space<vmem>>
        %gather3A_701 = arith.constant 5544 : i32
        %gather3A_702 = tpu.memref_slice %gather3A_700[%gather3A_701] : memref<8448xf32, #tpu.memory_space<vmem>> -> memref<264xf32, #tpu.memory_space<vmem>>
        %gather3A_703 = tpu.vector_load_idx %gather3A_702[%get3A_585] : memref<264xf32, #tpu.memory_space<vmem>>[vector<16xi32>], vector<16xf32>,
        %gather3A_704 = tpu.memref_slice %arg16[%mul3A_544] : memref<33792xf32, #tpu.memory_space<vmem>> -> memref<8448xf32, #tpu.memory_space<vmem>>
        %gather3A_705 = arith.constant 5808 : i32
        %gather3A_706 = tpu.memref_slice %gather3A_704[%gather3A_705] : memref<8448xf32, #tpu.memory_space<vmem>> -> memref<264xf32, #tpu.memory_space<vmem>>
        %gather3A_707 = tpu.vector_load_idx %gather3A_706[%get3A_585] : memref<264xf32, #tpu.memory_space<vmem>>[vector<16xi32>], vector<16xf32>,
        %gather3A_708 = tpu.memref_slice %arg16[%mul3A_544] : memref<33792xf32, #tpu.memory_space<vmem>> -> memref<8448xf32, #tpu.memory_space<vmem>>
        %gather3A_709 = arith.constant 6072 : i32
        %gather3A_710 = tpu.memref_slice %gather3A_708[%gather3A_709] : memref<8448xf32, #tpu.memory_space<vmem>> -> memref<264xf32, #tpu.memory_space<vmem>>
        %gather3A_711 = tpu.vector_load_idx %gather3A_710[%get3A_585] : memref<264xf32, #tpu.memory_space<vmem>>[vector<16xi32>], vector<16xf32>,
        %swap3A_712 = arith.constant 8 : i32
        %swap3A_713 = arith.index_cast %swap3A_712 : i32 to index
        %swap3A_714 = arith.index_cast %mul3A_584 : i32 to index
        %swap3A_715 = tpu.vector_load %arg18[%swap3A_713, %swap3A_714] {strides = array<i32>} : memref<32x1024xf32, #tpu.memory_space<vmem>>, vector<16xf32>,
        tpu.vector_store %arg18[%swap3A_713, %swap3A_714], %gather3A_620 {strides = array<i32>} : memref<32x1024xf32, #tpu.memory_space<vmem>>, vector<16xf32>,
        %swap3A_716 = arith.constant 9 : i32
        %swap3A_717 = arith.index_cast %swap3A_716 : i32 to index
        %swap3A_718 = arith.index_cast %mul3A_584 : i32 to index
        %swap3A_719 = tpu.vector_load %arg18[%swap3A_717, %swap3A_718] {strides = array<i32>} : memref<32x1024xf32, #tpu.memory_space<vmem>>, vector<16xf32>,
        tpu.vector_store %arg18[%swap3A_717, %swap3A_718], %gather3A_624 {strides = array<i32>} : memref<32x1024xf32, #tpu.memory_space<vmem>>, vector<16xf32>,
        %swap3A_720 = arith.constant 10 : i32
        %swap3A_721 = arith.index_cast %swap3A_720 : i32 to index
        %swap3A_722 = arith.index_cast %mul3A_584 : i32 to index
        %swap3A_723 = tpu.vector_load %arg18[%swap3A_721, %swap3A_722] {strides = array<i32>} : memref<32x1024xf32, #tpu.memory_space<vmem>>, vector<16xf32>,
        tpu.vector_store %arg18[%swap3A_721, %swap3A_722], %gather3A_628 {strides = array<i32>} : memref<32x1024xf32, #tpu.memory_space<vmem>>, vector<16xf32>,
        %swap3A_724 = arith.constant 11 : i32
        %swap3A_725 = arith.index_cast %swap3A_724 : i32 to index
        %swap3A_726 = arith.index_cast %mul3A_584 : i32 to index
        %swap3A_727 = tpu.vector_load %arg18[%swap3A_725, %swap3A_726] {strides = array<i32>} : memref<32x1024xf32, #tpu.memory_space<vmem>>, vector<16xf32>,
        tpu.vector_store %arg18[%swap3A_725, %swap3A_726], %gather3A_632 {strides = array<i32>} : memref<32x1024xf32, #tpu.memory_space<vmem>>, vector<16xf32>,
        %swap3A_728 = arith.constant 12 : i32
        %swap3A_729 = arith.index_cast %swap3A_728 : i32 to index
        %swap3A_730 = arith.index_cast %mul3A_584 : i32 to index
        %swap3A_731 = tpu.vector_load %arg18[%swap3A_729, %swap3A_730] {strides = array<i32>} : memref<32x1024xf32, #tpu.memory_space<vmem>>, vector<16xf32>,
        tpu.vector_store %arg18[%swap3A_729, %swap3A_730], %gather3A_636 {strides = array<i32>} : memref<32x1024xf32, #tpu.memory_space<vmem>>, vector<16xf32>,
        %swap3A_732 = arith.constant 13 : i32
        %swap3A_733 = arith.index_cast %swap3A_732 : i32 to index
        %swap3A_734 = arith.index_cast %mul3A_584 : i32 to index
        %swap3A_735 = tpu.vector_load %arg18[%swap3A_733, %swap3A_734] {strides = array<i32>} : memref<32x1024xf32, #tpu.memory_space<vmem>>, vector<16xf32>,
        tpu.vector_store %arg18[%swap3A_733, %swap3A_734], %gather3A_640 {strides = array<i32>} : memref<32x1024xf32, #tpu.memory_space<vmem>>, vector<16xf32>,
        %swap3A_736 = arith.constant 14 : i32
        %swap3A_737 = arith.index_cast %swap3A_736 : i32 to index
        %swap3A_738 = arith.index_cast %mul3A_584 : i32 to index
        %swap3A_739 = tpu.vector_load %arg18[%swap3A_737, %swap3A_738] {strides = array<i32>} : memref<32x1024xf32, #tpu.memory_space<vmem>>, vector<16xf32>,
        tpu.vector_store %arg18[%swap3A_737, %swap3A_738], %gather3A_644 {strides = array<i32>} : memref<32x1024xf32, #tpu.memory_space<vmem>>, vector<16xf32>,
        %swap3A_740 = arith.constant 15 : i32
        %swap3A_741 = arith.index_cast %swap3A_740 : i32 to index
        %swap3A_742 = arith.index_cast %mul3A_584 : i32 to index
        %swap3A_743 = tpu.vector_load %arg18[%swap3A_741, %swap3A_742] {strides = array<i32>} : memref<32x1024xf32, #tpu.memory_space<vmem>>, vector<16xf32>,
        tpu.vector_store %arg18[%swap3A_741, %swap3A_742], %gather3A_648 {strides = array<i32>} : memref<32x1024xf32, #tpu.memory_space<vmem>>, vector<16xf32>,
        %gather3A_744 = tpu.memref_slice %arg16[%mul3A_544] : memref<33792xf32, #tpu.memory_space<vmem>> -> memref<8448xf32, #tpu.memory_space<vmem>>
        %gather3A_745 = arith.constant 6336 : i32
        %gather3A_746 = tpu.memref_slice %gather3A_744[%gather3A_745] : memref<8448xf32, #tpu.memory_space<vmem>> -> memref<264xf32, #tpu.memory_space<vmem>>
        %gather3A_747 = tpu.vector_load_idx %gather3A_746[%get3A_585] : memref<264xf32, #tpu.memory_space<vmem>>[vector<16xi32>], vector<16xf32>,
        %gather3A_748 = tpu.memref_slice %arg16[%mul3A_544] : memref<33792xf32, #tpu.memory_space<vmem>> -> memref<8448xf32, #tpu.memory_space<vmem>>
        %gather3A_749 = arith.constant 6600 : i32
        %gather3A_750 = tpu.memref_slice %gather3A_748[%gather3A_749] : memref<8448xf32, #tpu.memory_space<vmem>> -> memref<264xf32, #tpu.memory_space<vmem>>
        %gather3A_751 = tpu.vector_load_idx %gather3A_750[%get3A_585] : memref<264xf32, #tpu.memory_space<vmem>>[vector<16xi32>], vector<16xf32>,
        %gather3A_752 = tpu.memref_slice %arg16[%mul3A_544] : memref<33792xf32, #tpu.memory_space<vmem>> -> memref<8448xf32, #tpu.memory_space<vmem>>
        %gather3A_753 = arith.constant 6864 : i32
        %gather3A_754 = tpu.memref_slice %gather3A_752[%gather3A_753] : memref<8448xf32, #tpu.memory_space<vmem>> -> memref<264xf32, #tpu.memory_space<vmem>>
        %gather3A_755 = tpu.vector_load_idx %gather3A_754[%get3A_585] : memref<264xf32, #tpu.memory_space<vmem>>[vector<16xi32>], vector<16xf32>,
        %gather3A_756 = tpu.memref_slice %arg16[%mul3A_544] : memref<33792xf32, #tpu.memory_space<vmem>> -> memref<8448xf32, #tpu.memory_space<vmem>>
        %gather3A_757 = arith.constant 7128 : i32
        %gather3A_758 = tpu.memref_slice %gather3A_756[%gather3A_757] : memref<8448xf32, #tpu.memory_space<vmem>> -> memref<264xf32, #tpu.memory_space<vmem>>
        %gather3A_759 = tpu.vector_load_idx %gather3A_758[%get3A_585] : memref<264xf32, #tpu.memory_space<vmem>>[vector<16xi32>], vector<16xf32>,
        %gather3A_760 = tpu.memref_slice %arg16[%mul3A_544] : memref<33792xf32, #tpu.memory_space<vmem>> -> memref<8448xf32, #tpu.memory_space<vmem>>
        %gather3A_761 = arith.constant 7392 : i32
        %gather3A_762 = tpu.memref_slice %gather3A_760[%gather3A_761] : memref<8448xf32, #tpu.memory_space<vmem>> -> memref<264xf32, #tpu.memory_space<vmem>>
        %gather3A_763 = tpu.vector_load_idx %gather3A_762[%get3A_585] : memref<264xf32, #tpu.memory_space<vmem>>[vector<16xi32>], vector<16xf32>,
        %gather3A_764 = tpu.memref_slice %arg16[%mul3A_544] : memref<33792xf32, #tpu.memory_space<vmem>> -> memref<8448xf32, #tpu.memory_space<vmem>>
        %gather3A_765 = arith.constant 7656 : i32
        %gather3A_766 = tpu.memref_slice %gather3A_764[%gather3A_765] : memref<8448xf32, #tpu.memory_space<vmem>> -> memref<264xf32, #tpu.memory_space<vmem>>
        %gather3A_767 = tpu.vector_load_idx %gather3A_766[%get3A_585] : memref<264xf32, #tpu.memory_space<vmem>>[vector<16xi32>], vector<16xf32>,
        %gather3A_768 = tpu.memref_slice %arg16[%mul3A_544] : memref<33792xf32, #tpu.memory_space<vmem>> -> memref<8448xf32, #tpu.memory_space<vmem>>
        %gather3A_769 = arith.constant 7920 : i32
        %gather3A_770 = tpu.memref_slice %gather3A_768[%gather3A_769] : memref<8448xf32, #tpu.memory_space<vmem>> -> memref<264xf32, #tpu.memory_space<vmem>>
        %gather3A_771 = tpu.vector_load_idx %gather3A_770[%get3A_585] : memref<264xf32, #tpu.memory_space<vmem>>[vector<16xi32>], vector<16xf32>,
        %gather3A_772 = tpu.memref_slice %arg16[%mul3A_544] : memref<33792xf32, #tpu.memory_space<vmem>> -> memref<8448xf32, #tpu.memory_space<vmem>>
        %gather3A_773 = arith.constant 8184 : i32
        %gather3A_774 = tpu.memref_slice %gather3A_772[%gather3A_773] : memref<8448xf32, #tpu.memory_space<vmem>> -> memref<264xf32, #tpu.memory_space<vmem>>
        %gather3A_775 = tpu.vector_load_idx %gather3A_774[%get3A_585] : memref<264xf32, #tpu.memory_space<vmem>>[vector<16xi32>], vector<16xf32>,
        %swap3A_776 = arith.constant 16 : i32
        %swap3A_777 = arith.index_cast %swap3A_776 : i32 to index
        %swap3A_778 = arith.index_cast %mul3A_584 : i32 to index
        %swap3A_779 = tpu.vector_load %arg18[%swap3A_777, %swap3A_778] {strides = array<i32>} : memref<32x1024xf32, #tpu.memory_space<vmem>>, vector<16xf32>,
        tpu.vector_store %arg18[%swap3A_777, %swap3A_778], %gather3A_683 {strides = array<i32>} : memref<32x1024xf32, #tpu.memory_space<vmem>>, vector<16xf32>,
        %swap3A_780 = arith.constant 17 : i32
        %swap3A_781 = arith.index_cast %swap3A_780 : i32 to index
        %swap3A_782 = arith.index_cast %mul3A_584 : i32 to index
        %swap3A_783 = tpu.vector_load %arg18[%swap3A_781, %swap3A_782] {strides = array<i32>} : memref<32x1024xf32, #tpu.memory_space<vmem>>, vector<16xf32>,
        tpu.vector_store %arg18[%swap3A_781, %swap3A_782], %gather3A_687 {strides = array<i32>} : memref<32x1024xf32, #tpu.memory_space<vmem>>, vector<16xf32>,
        %swap3A_784 = arith.constant 18 : i32
        %swap3A_785 = arith.index_cast %swap3A_784 : i32 to index
        %swap3A_786 = arith.index_cast %mul3A_584 : i32 to index
        %swap3A_787 = tpu.vector_load %arg18[%swap3A_785, %swap3A_786] {strides = array<i32>} : memref<32x1024xf32, #tpu.memory_space<vmem>>, vector<16xf32>,
        tpu.vector_store %arg18[%swap3A_785, %swap3A_786], %gather3A_691 {strides = array<i32>} : memref<32x1024xf32, #tpu.memory_space<vmem>>, vector<16xf32>,
        %swap3A_788 = arith.constant 19 : i32
        %swap3A_789 = arith.index_cast %swap3A_788 : i32 to index
        %swap3A_790 = arith.index_cast %mul3A_584 : i32 to index
        %swap3A_791 = tpu.vector_load %arg18[%swap3A_789, %swap3A_790] {strides = array<i32>} : memref<32x1024xf32, #tpu.memory_space<vmem>>, vector<16xf32>,
        tpu.vector_store %arg18[%swap3A_789, %swap3A_790], %gather3A_695 {strides = array<i32>} : memref<32x1024xf32, #tpu.memory_space<vmem>>, vector<16xf32>,
        %swap3A_792 = arith.constant 20 : i32
        %swap3A_793 = arith.index_cast %swap3A_792 : i32 to index
        %swap3A_794 = arith.index_cast %mul3A_584 : i32 to index
        %swap3A_795 = tpu.vector_load %arg18[%swap3A_793, %swap3A_794] {strides = array<i32>} : memref<32x1024xf32, #tpu.memory_space<vmem>>, vector<16xf32>,
        tpu.vector_store %arg18[%swap3A_793, %swap3A_794], %gather3A_699 {strides = array<i32>} : memref<32x1024xf32, #tpu.memory_space<vmem>>, vector<16xf32>,
        %swap3A_796 = arith.constant 21 : i32
        %swap3A_797 = arith.index_cast %swap3A_796 : i32 to index
        %swap3A_798 = arith.index_cast %mul3A_584 : i32 to index
        %swap3A_799 = tpu.vector_load %arg18[%swap3A_797, %swap3A_798] {strides = array<i32>} : memref<32x1024xf32, #tpu.memory_space<vmem>>, vector<16xf32>,
        tpu.vector_store %arg18[%swap3A_797, %swap3A_798], %gather3A_703 {strides = array<i32>} : memref<32x1024xf32, #tpu.memory_space<vmem>>, vector<16xf32>,
        %swap3A_800 = arith.constant 22 : i32
        %swap3A_801 = arith.index_cast %swap3A_800 : i32 to index
        %swap3A_802 = arith.index_cast %mul3A_584 : i32 to index
        %swap3A_803 = tpu.vector_load %arg18[%swap3A_801, %swap3A_802] {strides = array<i32>} : memref<32x1024xf32, #tpu.memory_space<vmem>>, vector<16xf32>,
        tpu.vector_store %arg18[%swap3A_801, %swap3A_802], %gather3A_707 {strides = array<i32>} : memref<32x1024xf32, #tpu.memory_space<vmem>>, vector<16xf32>,
        %swap3A_804 = arith.constant 23 : i32
        %swap3A_805 = arith.index_cast %swap3A_804 : i32 to index
        %swap3A_806 = arith.index_cast %mul3A_584 : i32 to index
        %swap3A_807 = tpu.vector_load %arg18[%swap3A_805, %swap3A_806] {strides = array<i32>} : memref<32x1024xf32, #tpu.memory_space<vmem>>, vector<16xf32>,
        tpu.vector_store %arg18[%swap3A_805, %swap3A_806], %gather3A_711 {strides = array<i32>} : memref<32x1024xf32, #tpu.memory_space<vmem>>, vector<16xf32>,
        %swap3A_808 = arith.constant 24 : i32
        %swap3A_809 = arith.index_cast %swap3A_808 : i32 to index
        %swap3A_810 = arith.index_cast %mul3A_584 : i32 to index
        %swap3A_811 = tpu.vector_load %arg18[%swap3A_809, %swap3A_810] {strides = array<i32>} : memref<32x1024xf32, #tpu.memory_space<vmem>>, vector<16xf32>,
        tpu.vector_store %arg18[%swap3A_809, %swap3A_810], %gather3A_747 {strides = array<i32>} : memref<32x1024xf32, #tpu.memory_space<vmem>>, vector<16xf32>,
        %swap3A_812 = arith.constant 25 : i32
        %swap3A_813 = arith.index_cast %swap3A_812 : i32 to index
        %swap3A_814 = arith.index_cast %mul3A_584 : i32 to index
        %swap3A_815 = tpu.vector_load %arg18[%swap3A_813, %swap3A_814] {strides = array<i32>} : memref<32x1024xf32, #tpu.memory_space<vmem>>, vector<16xf32>,
        tpu.vector_store %arg18[%swap3A_813, %swap3A_814], %gather3A_751 {strides = array<i32>} : memref<32x1024xf32, #tpu.memory_space<vmem>>, vector<16xf32>,
        %swap3A_816 = arith.constant 26 : i32
        %swap3A_817 = arith.index_cast %swap3A_816 : i32 to index
        %swap3A_818 = arith.index_cast %mul3A_584 : i32 to index
        %swap3A_819 = tpu.vector_load %arg18[%swap3A_817, %swap3A_818] {strides = array<i32>} : memref<32x1024xf32, #tpu.memory_space<vmem>>, vector<16xf32>,
        tpu.vector_store %arg18[%swap3A_817, %swap3A_818], %gather3A_755 {strides = array<i32>} : memref<32x1024xf32, #tpu.memory_space<vmem>>, vector<16xf32>,
        %swap3A_820 = arith.constant 27 : i32
        %swap3A_821 = arith.index_cast %swap3A_820 : i32 to index
        %swap3A_822 = arith.index_cast %mul3A_584 : i32 to index
        %swap3A_823 = tpu.vector_load %arg18[%swap3A_821, %swap3A_822] {strides = array<i32>} : memref<32x1024xf32, #tpu.memory_space<vmem>>, vector<16xf32>,
        tpu.vector_store %arg18[%swap3A_821, %swap3A_822], %gather3A_759 {strides = array<i32>} : memref<32x1024xf32, #tpu.memory_space<vmem>>, vector<16xf32>,
        %swap3A_824 = arith.constant 28 : i32
        %swap3A_825 = arith.index_cast %swap3A_824 : i32 to index
        %swap3A_826 = arith.index_cast %mul3A_584 : i32 to index
        %swap3A_827 = tpu.vector_load %arg18[%swap3A_825, %swap3A_826] {strides = array<i32>} : memref<32x1024xf32, #tpu.memory_space<vmem>>, vector<16xf32>,
        tpu.vector_store %arg18[%swap3A_825, %swap3A_826], %gather3A_763 {strides = array<i32>} : memref<32x1024xf32, #tpu.memory_space<vmem>>, vector<16xf32>,
        %swap3A_828 = arith.constant 29 : i32
        %swap3A_829 = arith.index_cast %swap3A_828 : i32 to index
        %swap3A_830 = arith.index_cast %mul3A_584 : i32 to index
        %swap3A_831 = tpu.vector_load %arg18[%swap3A_829, %swap3A_830] {strides = array<i32>} : memref<32x1024xf32, #tpu.memory_space<vmem>>, vector<16xf32>,
        tpu.vector_store %arg18[%swap3A_829, %swap3A_830], %gather3A_767 {strides = array<i32>} : memref<32x1024xf32, #tpu.memory_space<vmem>>, vector<16xf32>,
        %swap3A_832 = arith.constant 30 : i32
        %swap3A_833 = arith.index_cast %swap3A_832 : i32 to index
        %swap3A_834 = arith.index_cast %mul3A_584 : i32 to index
        %swap3A_835 = tpu.vector_load %arg18[%swap3A_833, %swap3A_834] {strides = array<i32>} : memref<32x1024xf32, #tpu.memory_space<vmem>>, vector<16xf32>,
        tpu.vector_store %arg18[%swap3A_833, %swap3A_834], %gather3A_771 {strides = array<i32>} : memref<32x1024xf32, #tpu.memory_space<vmem>>, vector<16xf32>,
        %swap3A_836 = arith.constant 31 : i32
        %swap3A_837 = arith.index_cast %swap3A_836 : i32 to index
        %swap3A_838 = arith.index_cast %mul3A_584 : i32 to index
        %swap3A_839 = tpu.vector_load %arg18[%swap3A_837, %swap3A_838] {strides = array<i32>} : memref<32x1024xf32, #tpu.memory_space<vmem>>, vector<16xf32>,
        tpu.vector_store %arg18[%swap3A_837, %swap3A_838], %gather3A_775 {strides = array<i32>} : memref<32x1024xf32, #tpu.memory_space<vmem>>, vector<16xf32>,
      }
      %scan3A_558 = arith.constant 64 : i32
      %dma_start3A_559 = arith.constant 0 : i32
      %dma_start3A_560 = tpu.memref_slice %arg11[%select_n3A_489, %select_n3A_503, %mul3A_521, %dma_start3A_559] : memref<20x20x64x1024xf32, #tpu.memory_space<hbm>> -> memref<1x1x32x1024xf32, #tpu.memory_space<hbm>>
      %dma_start3A_561 = tpu.memref_squeeze %dma_start3A_560 : memref<1x1x32x1024xf32, #tpu.memory_space<hbm>> -> memref<32x1024xf32, #tpu.memory_space<hbm>>
      %dma_start3A_562 = arith.constant 0 : i32
      %dma_start3A_563 = tpu.memref_slice %arg11[%select_n3A_489, %select_n3A_503, %mul3A_521, %dma_start3A_562] : memref<20x20x64x1024xf32, #tpu.memory_space<hbm>> -> memref<1x1x32x1024xf32, #tpu.memory_space<hbm>>
      %dma_start3A_564 = tpu.memref_squeeze %dma_start3A_563 : memref<1x1x32x1024xf32, #tpu.memory_space<hbm>> -> memref<32x1024xf32, #tpu.memory_space<hbm>>
      tpu.enqueue_dma source(%arg18 : memref<32x1024xf32, #tpu.memory_space<vmem>>) target(%dma_start3A_564 : memref<32x1024xf32, #tpu.memory_space<hbm>>) target_semaphore(%arg24 : memref<!tpu.dma_semaphore, #tpu.memory_space<semaphore_mem>>)
      %gt3A_565 = arith.constant 0 : i32
      %gt3A_566 = arith.cmpi sgt, %scan3A_446, %gt3A_565 : i32
      %convert_element_type3A_567 = arith.extui %gt3A_566 : i1 to i32
      %cond3A_568 = arith.constant 0 : i32
      %cond3A_569 = arith.cmpi ne, %convert_element_type3A_567, %cond3A_568 : i32
      scf.if %cond3A_569 {
        %dma_wait3A_582 = arith.constant 0 : i32
        %dma_wait3A_583 = arith.constant 0 : i32
        %dma_wait3A_584 = arith.constant 0 : i32
        %dma_wait3A_585 = arith.constant 0 : i32
        %dma_wait3A_586 = tpu.memref_slice %arg12[%dma_wait3A_582, %dma_wait3A_583, %dma_wait3A_584, %dma_wait3A_585] : memref<20x20x64x1024xf32, #tpu.memory_space<hbm>> -> memref<1x1x32x1024xf32, #tpu.memory_space<hbm>>
        %dma_wait3A_587 = tpu.memref_squeeze %dma_wait3A_586 : memref<1x1x32x1024xf32, #tpu.memory_space<hbm>> -> memref<32x1024xf32, #tpu.memory_space<hbm>>
        %dma_wait3A_588 = arith.constant 0 : i32
        %dma_wait3A_589 = arith.constant 0 : i32
        %dma_wait3A_590 = tpu.memref_slice %arg12[%dma_wait3A_582, %dma_wait3A_583, %dma_wait3A_588, %dma_wait3A_589] : memref<20x20x64x1024xf32, #tpu.memory_space<hbm>> -> memref<1x1x32x1024xf32, #tpu.memory_space<hbm>>
        %dma_wait3A_591 = tpu.memref_squeeze %dma_wait3A_590 : memref<1x1x32x1024xf32, #tpu.memory_space<hbm>> -> memref<32x1024xf32, #tpu.memory_space<hbm>>
        tpu.wait_dma2 semaphore(%arg25 : memref<!tpu.dma_semaphore, #tpu.memory_space<semaphore_mem>>) src(%arg19 : memref<32x1024xf32, #tpu.memory_space<vmem>>) dst(%dma_wait3A_591 : memref<32x1024xf32, #tpu.memory_space<hbm>>)
      } else {
      }
      %scan3A_570 = arith.constant 0 : i32
      %scan3A_571 = arith.constant 0 : i32
      %scan3A_572 = arith.constant 64 : i32
      %scan3A_573 = arith.addi %scan3A_571, %scan3A_572 : i32
      %scan3A_574 = arith.constant 1 : i32
      scf.for %scan3A_582 = %scan3A_571 to %scan3A_573 step %scan3A_574  : i32 {
        %mul3A_583 = arith.constant 16 : i32
        %mul3A_584 = arith.muli %scan3A_582, %mul3A_583 : i32
        %get3A = arith.index_cast %mul3A_584 : i32 to index
        %get3A_585 = tpu.vector_load %arg17[%get3A] {strides = array<i32>} : memref<1024xi32, #tpu.memory_space<vmem>>, vector<16xi32>,
        %gather3A = tpu.memref_slice %arg16[%mul3A_548] : memref<33792xf32, #tpu.memory_space<vmem>> -> memref<8448xf32, #tpu.memory_space<vmem>>
        %gather3A_586 = arith.constant 0 : i32
        %gather3A_587 = tpu.memref_slice %gather3A[%gather3A_586] : memref<8448xf32, #tpu.memory_space<vmem>> -> memref<264xf32, #tpu.memory_space<vmem>>
        %gather3A_588 = tpu.vector_load_idx %gather3A_587[%get3A_585] : memref<264xf32, #tpu.memory_space<vmem>>[vector<16xi32>], vector<16xf32>,
        %gather3A_589 = tpu.memref_slice %arg16[%mul3A_548] : memref<33792xf32, #tpu.memory_space<vmem>> -> memref<8448xf32, #tpu.memory_space<vmem>>
        %gather3A_590 = arith.constant 264 : i32
        %gather3A_591 = tpu.memref_slice %gather3A_589[%gather3A_590] : memref<8448xf32, #tpu.memory_space<vmem>> -> memref<264xf32, #tpu.memory_space<vmem>>
        %gather3A_592 = tpu.vector_load_idx %gather3A_591[%get3A_585] : memref<264xf32, #tpu.memory_space<vmem>>[vector<16xi32>], vector<16xf32>,
        %gather3A_593 = tpu.memref_slice %arg16[%mul3A_548] : memref<33792xf32, #tpu.memory_space<vmem>> -> memref<8448xf32, #tpu.memory_space<vmem>>
        %gather3A_594 = arith.constant 528 : i32
        %gather3A_595 = tpu.memref_slice %gather3A_593[%gather3A_594] : memref<8448xf32, #tpu.memory_space<vmem>> -> memref<264xf32, #tpu.memory_space<vmem>>
        %gather3A_596 = tpu.vector_load_idx %gather3A_595[%get3A_585] : memref<264xf32, #tpu.memory_space<vmem>>[vector<16xi32>], vector<16xf32>,
        %gather3A_597 = tpu.memref_slice %arg16[%mul3A_548] : memref<33792xf32, #tpu.memory_space<vmem>> -> memref<8448xf32, #tpu.memory_space<vmem>>
        %gather3A_598 = arith.constant 792 : i32
        %gather3A_599 = tpu.memref_slice %gather3A_597[%gather3A_598] : memref<8448xf32, #tpu.memory_space<vmem>> -> memref<264xf32, #tpu.memory_space<vmem>>
        %gather3A_600 = tpu.vector_load_idx %gather3A_599[%get3A_585] : memref<264xf32, #tpu.memory_space<vmem>>[vector<16xi32>], vector<16xf32>,
        %gather3A_601 = tpu.memref_slice %arg16[%mul3A_548] : memref<33792xf32, #tpu.memory_space<vmem>> -> memref<8448xf32, #tpu.memory_space<vmem>>
        %gather3A_602 = arith.constant 1056 : i32
        %gather3A_603 = tpu.memref_slice %gather3A_601[%gather3A_602] : memref<8448xf32, #tpu.memory_space<vmem>> -> memref<264xf32, #tpu.memory_space<vmem>>
        %gather3A_604 = tpu.vector_load_idx %gather3A_603[%get3A_585] : memref<264xf32, #tpu.memory_space<vmem>>[vector<16xi32>], vector<16xf32>,
        %gather3A_605 = tpu.memref_slice %arg16[%mul3A_548] : memref<33792xf32, #tpu.memory_space<vmem>> -> memref<8448xf32, #tpu.memory_space<vmem>>
        %gather3A_606 = arith.constant 1320 : i32
        %gather3A_607 = tpu.memref_slice %gather3A_605[%gather3A_606] : memref<8448xf32, #tpu.memory_space<vmem>> -> memref<264xf32, #tpu.memory_space<vmem>>
        %gather3A_608 = tpu.vector_load_idx %gather3A_607[%get3A_585] : memref<264xf32, #tpu.memory_space<vmem>>[vector<16xi32>], vector<16xf32>,
        %gather3A_609 = tpu.memref_slice %arg16[%mul3A_548] : memref<33792xf32, #tpu.memory_space<vmem>> -> memref<8448xf32, #tpu.memory_space<vmem>>
        %gather3A_610 = arith.constant 1584 : i32
        %gather3A_611 = tpu.memref_slice %gather3A_609[%gather3A_610] : memref<8448xf32, #tpu.memory_space<vmem>> -> memref<264xf32, #tpu.memory_space<vmem>>
        %gather3A_612 = tpu.vector_load_idx %gather3A_611[%get3A_585] : memref<264xf32, #tpu.memory_space<vmem>>[vector<16xi32>], vector<16xf32>,
        %gather3A_613 = tpu.memref_slice %arg16[%mul3A_548] : memref<33792xf32, #tpu.memory_space<vmem>> -> memref<8448xf32, #tpu.memory_space<vmem>>
        %gather3A_614 = arith.constant 1848 : i32
        %gather3A_615 = tpu.memref_slice %gather3A_613[%gather3A_614] : memref<8448xf32, #tpu.memory_space<vmem>> -> memref<264xf32, #tpu.memory_space<vmem>>
        %gather3A_616 = tpu.vector_load_idx %gather3A_615[%get3A_585] : memref<264xf32, #tpu.memory_space<vmem>>[vector<16xi32>], vector<16xf32>,
        %gather3A_617 = tpu.memref_slice %arg16[%mul3A_548] : memref<33792xf32, #tpu.memory_space<vmem>> -> memref<8448xf32, #tpu.memory_space<vmem>>
        %gather3A_618 = arith.constant 2112 : i32
        %gather3A_619 = tpu.memref_slice %gather3A_617[%gather3A_618] : memref<8448xf32, #tpu.memory_space<vmem>> -> memref<264xf32, #tpu.memory_space<vmem>>
        %gather3A_620 = tpu.vector_load_idx %gather3A_619[%get3A_585] : memref<264xf32, #tpu.memory_space<vmem>>[vector<16xi32>], vector<16xf32>,
        %gather3A_621 = tpu.memref_slice %arg16[%mul3A_548] : memref<33792xf32, #tpu.memory_space<vmem>> -> memref<8448xf32, #tpu.memory_space<vmem>>
        %gather3A_622 = arith.constant 2376 : i32
        %gather3A_623 = tpu.memref_slice %gather3A_621[%gather3A_622] : memref<8448xf32, #tpu.memory_space<vmem>> -> memref<264xf32, #tpu.memory_space<vmem>>
        %gather3A_624 = tpu.vector_load_idx %gather3A_623[%get3A_585] : memref<264xf32, #tpu.memory_space<vmem>>[vector<16xi32>], vector<16xf32>,
        %gather3A_625 = tpu.memref_slice %arg16[%mul3A_548] : memref<33792xf32, #tpu.memory_space<vmem>> -> memref<8448xf32, #tpu.memory_space<vmem>>
        %gather3A_626 = arith.constant 2640 : i32
        %gather3A_627 = tpu.memref_slice %gather3A_625[%gather3A_626] : memref<8448xf32, #tpu.memory_space<vmem>> -> memref<264xf32, #tpu.memory_space<vmem>>
        %gather3A_628 = tpu.vector_load_idx %gather3A_627[%get3A_585] : memref<264xf32, #tpu.memory_space<vmem>>[vector<16xi32>], vector<16xf32>,
        %gather3A_629 = tpu.memref_slice %arg16[%mul3A_548] : memref<33792xf32, #tpu.memory_space<vmem>> -> memref<8448xf32, #tpu.memory_space<vmem>>
        %gather3A_630 = arith.constant 2904 : i32
        %gather3A_631 = tpu.memref_slice %gather3A_629[%gather3A_630] : memref<8448xf32, #tpu.memory_space<vmem>> -> memref<264xf32, #tpu.memory_space<vmem>>
        %gather3A_632 = tpu.vector_load_idx %gather3A_631[%get3A_585] : memref<264xf32, #tpu.memory_space<vmem>>[vector<16xi32>], vector<16xf32>,
        %gather3A_633 = tpu.memref_slice %arg16[%mul3A_548] : memref<33792xf32, #tpu.memory_space<vmem>> -> memref<8448xf32, #tpu.memory_space<vmem>>
        %gather3A_634 = arith.constant 3168 : i32
        %gather3A_635 = tpu.memref_slice %gather3A_633[%gather3A_634] : memref<8448xf32, #tpu.memory_space<vmem>> -> memref<264xf32, #tpu.memory_space<vmem>>
        %gather3A_636 = tpu.vector_load_idx %gather3A_635[%get3A_585] : memref<264xf32, #tpu.memory_space<vmem>>[vector<16xi32>], vector<16xf32>,
        %gather3A_637 = tpu.memref_slice %arg16[%mul3A_548] : memref<33792xf32, #tpu.memory_space<vmem>> -> memref<8448xf32, #tpu.memory_space<vmem>>
        %gather3A_638 = arith.constant 3432 : i32
        %gather3A_639 = tpu.memref_slice %gather3A_637[%gather3A_638] : memref<8448xf32, #tpu.memory_space<vmem>> -> memref<264xf32, #tpu.memory_space<vmem>>
        %gather3A_640 = tpu.vector_load_idx %gather3A_639[%get3A_585] : memref<264xf32, #tpu.memory_space<vmem>>[vector<16xi32>], vector<16xf32>,
        %gather3A_641 = tpu.memref_slice %arg16[%mul3A_548] : memref<33792xf32, #tpu.memory_space<vmem>> -> memref<8448xf32, #tpu.memory_space<vmem>>
        %gather3A_642 = arith.constant 3696 : i32
        %gather3A_643 = tpu.memref_slice %gather3A_641[%gather3A_642] : memref<8448xf32, #tpu.memory_space<vmem>> -> memref<264xf32, #tpu.memory_space<vmem>>
        %gather3A_644 = tpu.vector_load_idx %gather3A_643[%get3A_585] : memref<264xf32, #tpu.memory_space<vmem>>[vector<16xi32>], vector<16xf32>,
        %gather3A_645 = tpu.memref_slice %arg16[%mul3A_548] : memref<33792xf32, #tpu.memory_space<vmem>> -> memref<8448xf32, #tpu.memory_space<vmem>>
        %gather3A_646 = arith.constant 3960 : i32
        %gather3A_647 = tpu.memref_slice %gather3A_645[%gather3A_646] : memref<8448xf32, #tpu.memory_space<vmem>> -> memref<264xf32, #tpu.memory_space<vmem>>
        %gather3A_648 = tpu.vector_load_idx %gather3A_647[%get3A_585] : memref<264xf32, #tpu.memory_space<vmem>>[vector<16xi32>], vector<16xf32>,
        %swap3A = arith.constant 0 : i32
        %swap3A_649 = arith.index_cast %swap3A : i32 to index
        %swap3A_650 = arith.index_cast %mul3A_584 : i32 to index
        %swap3A_651 = tpu.vector_load %arg19[%swap3A_649, %swap3A_650] {strides = array<i32>} : memref<32x1024xf32, #tpu.memory_space<vmem>>, vector<16xf32>,
        tpu.vector_store %arg19[%swap3A_649, %swap3A_650], %gather3A_588 {strides = array<i32>} : memref<32x1024xf32, #tpu.memory_space<vmem>>, vector<16xf32>,
        %swap3A_652 = arith.constant 1 : i32
        %swap3A_653 = arith.index_cast %swap3A_652 : i32 to index
        %swap3A_654 = arith.index_cast %mul3A_584 : i32 to index
        %swap3A_655 = tpu.vector_load %arg19[%swap3A_653, %swap3A_654] {strides = array<i32>} : memref<32x1024xf32, #tpu.memory_space<vmem>>, vector<16xf32>,
        tpu.vector_store %arg19[%swap3A_653, %swap3A_654], %gather3A_592 {strides = array<i32>} : memref<32x1024xf32, #tpu.memory_space<vmem>>, vector<16xf32>,
        %swap3A_656 = arith.constant 2 : i32
        %swap3A_657 = arith.index_cast %swap3A_656 : i32 to index
        %swap3A_658 = arith.index_cast %mul3A_584 : i32 to index
        %swap3A_659 = tpu.vector_load %arg19[%swap3A_657, %swap3A_658] {strides = array<i32>} : memref<32x1024xf32, #tpu.memory_space<vmem>>, vector<16xf32>,
        tpu.vector_store %arg19[%swap3A_657, %swap3A_658], %gather3A_596 {strides = array<i32>} : memref<32x1024xf32, #tpu.memory_space<vmem>>, vector<16xf32>,
        %swap3A_660 = arith.constant 3 : i32
        %swap3A_661 = arith.index_cast %swap3A_660 : i32 to index
        %swap3A_662 = arith.index_cast %mul3A_584 : i32 to index
        %swap3A_663 = tpu.vector_load %arg19[%swap3A_661, %swap3A_662] {strides = array<i32>} : memref<32x1024xf32, #tpu.memory_space<vmem>>, vector<16xf32>,
        tpu.vector_store %arg19[%swap3A_661, %swap3A_662], %gather3A_600 {strides = array<i32>} : memref<32x1024xf32, #tpu.memory_space<vmem>>, vector<16xf32>,
        %swap3A_664 = arith.constant 4 : i32
        %swap3A_665 = arith.index_cast %swap3A_664 : i32 to index
        %swap3A_666 = arith.index_cast %mul3A_584 : i32 to index
        %swap3A_667 = tpu.vector_load %arg19[%swap3A_665, %swap3A_666] {strides = array<i32>} : memref<32x1024xf32, #tpu.memory_space<vmem>>, vector<16xf32>,
        tpu.vector_store %arg19[%swap3A_665, %swap3A_666], %gather3A_604 {strides = array<i32>} : memref<32x1024xf32, #tpu.memory_space<vmem>>, vector<16xf32>,
        %swap3A_668 = arith.constant 5 : i32
        %swap3A_669 = arith.index_cast %swap3A_668 : i32 to index
        %swap3A_670 = arith.index_cast %mul3A_584 : i32 to index
        %swap3A_671 = tpu.vector_load %arg19[%swap3A_669, %swap3A_670] {strides = array<i32>} : memref<32x1024xf32, #tpu.memory_space<vmem>>, vector<16xf32>,
        tpu.vector_store %arg19[%swap3A_669, %swap3A_670], %gather3A_608 {strides = array<i32>} : memref<32x1024xf32, #tpu.memory_space<vmem>>, vector<16xf32>,
        %swap3A_672 = arith.constant 6 : i32
        %swap3A_673 = arith.index_cast %swap3A_672 : i32 to index
        %swap3A_674 = arith.index_cast %mul3A_584 : i32 to index
        %swap3A_675 = tpu.vector_load %arg19[%swap3A_673, %swap3A_674] {strides = array<i32>} : memref<32x1024xf32, #tpu.memory_space<vmem>>, vector<16xf32>,
        tpu.vector_store %arg19[%swap3A_673, %swap3A_674], %gather3A_612 {strides = array<i32>} : memref<32x1024xf32, #tpu.memory_space<vmem>>, vector<16xf32>,
        %swap3A_676 = arith.constant 7 : i32
        %swap3A_677 = arith.index_cast %swap3A_676 : i32 to index
        %swap3A_678 = arith.index_cast %mul3A_584 : i32 to index
        %swap3A_679 = tpu.vector_load %arg19[%swap3A_677, %swap3A_678] {strides = array<i32>} : memref<32x1024xf32, #tpu.memory_space<vmem>>, vector<16xf32>,
        tpu.vector_store %arg19[%swap3A_677, %swap3A_678], %gather3A_616 {strides = array<i32>} : memref<32x1024xf32, #tpu.memory_space<vmem>>, vector<16xf32>,
        %gather3A_680 = tpu.memref_slice %arg16[%mul3A_548] : memref<33792xf32, #tpu.memory_space<vmem>> -> memref<8448xf32, #tpu.memory_space<vmem>>
        %gather3A_681 = arith.constant 4224 : i32
        %gather3A_682 = tpu.memref_slice %gather3A_680[%gather3A_681] : memref<8448xf32, #tpu.memory_space<vmem>> -> memref<264xf32, #tpu.memory_space<vmem>>
        %gather3A_683 = tpu.vector_load_idx %gather3A_682[%get3A_585] : memref<264xf32, #tpu.memory_space<vmem>>[vector<16xi32>], vector<16xf32>,
        %gather3A_684 = tpu.memref_slice %arg16[%mul3A_548] : memref<33792xf32, #tpu.memory_space<vmem>> -> memref<8448xf32, #tpu.memory_space<vmem>>
        %gather3A_685 = arith.constant 4488 : i32
        %gather3A_686 = tpu.memref_slice %gather3A_684[%gather3A_685] : memref<8448xf32, #tpu.memory_space<vmem>> -> memref<264xf32, #tpu.memory_space<vmem>>
        %gather3A_687 = tpu.vector_load_idx %gather3A_686[%get3A_585] : memref<264xf32, #tpu.memory_space<vmem>>[vector<16xi32>], vector<16xf32>,
        %gather3A_688 = tpu.memref_slice %arg16[%mul3A_548] : memref<33792xf32, #tpu.memory_space<vmem>> -> memref<8448xf32, #tpu.memory_space<vmem>>
        %gather3A_689 = arith.constant 4752 : i32
        %gather3A_690 = tpu.memref_slice %gather3A_688[%gather3A_689] : memref<8448xf32, #tpu.memory_space<vmem>> -> memref<264xf32, #tpu.memory_space<vmem>>
        %gather3A_691 = tpu.vector_load_idx %gather3A_690[%get3A_585] : memref<264xf32, #tpu.memory_space<vmem>>[vector<16xi32>], vector<16xf32>,
        %gather3A_692 = tpu.memref_slice %arg16[%mul3A_548] : memref<33792xf32, #tpu.memory_space<vmem>> -> memref<8448xf32, #tpu.memory_space<vmem>>
        %gather3A_693 = arith.constant 5016 : i32
        %gather3A_694 = tpu.memref_slice %gather3A_692[%gather3A_693] : memref<8448xf32, #tpu.memory_space<vmem>> -> memref<264xf32, #tpu.memory_space<vmem>>
        %gather3A_695 = tpu.vector_load_idx %gather3A_694[%get3A_585] : memref<264xf32, #tpu.memory_space<vmem>>[vector<16xi32>], vector<16xf32>,
        %gather3A_696 = tpu.memref_slice %arg16[%mul3A_548] : memref<33792xf32, #tpu.memory_space<vmem>> -> memref<8448xf32, #tpu.memory_space<vmem>>
        %gather3A_697 = arith.constant 5280 : i32
        %gather3A_698 = tpu.memref_slice %gather3A_696[%gather3A_697] : memref<8448xf32, #tpu.memory_space<vmem>> -> memref<264xf32, #tpu.memory_space<vmem>>
        %gather3A_699 = tpu.vector_load_idx %gather3A_698[%get3A_585] : memref<264xf32, #tpu.memory_space<vmem>>[vector<16xi32>], vector<16xf32>,
        %gather3A_700 = tpu.memref_slice %arg16[%mul3A_548] : memref<33792xf32, #tpu.memory_space<vmem>> -> memref<8448xf32, #tpu.memory_space<vmem>>
        %gather3A_701 = arith.constant 5544 : i32
        %gather3A_702 = tpu.memref_slice %gather3A_700[%gather3A_701] : memref<8448xf32, #tpu.memory_space<vmem>> -> memref<264xf32, #tpu.memory_space<vmem>>
        %gather3A_703 = tpu.vector_load_idx %gather3A_702[%get3A_585] : memref<264xf32, #tpu.memory_space<vmem>>[vector<16xi32>], vector<16xf32>,
        %gather3A_704 = tpu.memref_slice %arg16[%mul3A_548] : memref<33792xf32, #tpu.memory_space<vmem>> -> memref<8448xf32, #tpu.memory_space<vmem>>
        %gather3A_705 = arith.constant 5808 : i32
        %gather3A_706 = tpu.memref_slice %gather3A_704[%gather3A_705] : memref<8448xf32, #tpu.memory_space<vmem>> -> memref<264xf32, #tpu.memory_space<vmem>>
        %gather3A_707 = tpu.vector_load_idx %gather3A_706[%get3A_585] : memref<264xf32, #tpu.memory_space<vmem>>[vector<16xi32>], vector<16xf32>,
        %gather3A_708 = tpu.memref_slice %arg16[%mul3A_548] : memref<33792xf32, #tpu.memory_space<vmem>> -> memref<8448xf32, #tpu.memory_space<vmem>>
        %gather3A_709 = arith.constant 6072 : i32
        %gather3A_710 = tpu.memref_slice %gather3A_708[%gather3A_709] : memref<8448xf32, #tpu.memory_space<vmem>> -> memref<264xf32, #tpu.memory_space<vmem>>
        %gather3A_711 = tpu.vector_load_idx %gather3A_710[%get3A_585] : memref<264xf32, #tpu.memory_space<vmem>>[vector<16xi32>], vector<16xf32>,
        %swap3A_712 = arith.constant 8 : i32
        %swap3A_713 = arith.index_cast %swap3A_712 : i32 to index
        %swap3A_714 = arith.index_cast %mul3A_584 : i32 to index
        %swap3A_715 = tpu.vector_load %arg19[%swap3A_713, %swap3A_714] {strides = array<i32>} : memref<32x1024xf32, #tpu.memory_space<vmem>>, vector<16xf32>,
        tpu.vector_store %arg19[%swap3A_713, %swap3A_714], %gather3A_620 {strides = array<i32>} : memref<32x1024xf32, #tpu.memory_space<vmem>>, vector<16xf32>,
        %swap3A_716 = arith.constant 9 : i32
        %swap3A_717 = arith.index_cast %swap3A_716 : i32 to index
        %swap3A_718 = arith.index_cast %mul3A_584 : i32 to index
        %swap3A_719 = tpu.vector_load %arg19[%swap3A_717, %swap3A_718] {strides = array<i32>} : memref<32x1024xf32, #tpu.memory_space<vmem>>, vector<16xf32>,
        tpu.vector_store %arg19[%swap3A_717, %swap3A_718], %gather3A_624 {strides = array<i32>} : memref<32x1024xf32, #tpu.memory_space<vmem>>, vector<16xf32>,
        %swap3A_720 = arith.constant 10 : i32
        %swap3A_721 = arith.index_cast %swap3A_720 : i32 to index
        %swap3A_722 = arith.index_cast %mul3A_584 : i32 to index
        %swap3A_723 = tpu.vector_load %arg19[%swap3A_721, %swap3A_722] {strides = array<i32>} : memref<32x1024xf32, #tpu.memory_space<vmem>>, vector<16xf32>,
        tpu.vector_store %arg19[%swap3A_721, %swap3A_722], %gather3A_628 {strides = array<i32>} : memref<32x1024xf32, #tpu.memory_space<vmem>>, vector<16xf32>,
        %swap3A_724 = arith.constant 11 : i32
        %swap3A_725 = arith.index_cast %swap3A_724 : i32 to index
        %swap3A_726 = arith.index_cast %mul3A_584 : i32 to index
        %swap3A_727 = tpu.vector_load %arg19[%swap3A_725, %swap3A_726] {strides = array<i32>} : memref<32x1024xf32, #tpu.memory_space<vmem>>, vector<16xf32>,
        tpu.vector_store %arg19[%swap3A_725, %swap3A_726], %gather3A_632 {strides = array<i32>} : memref<32x1024xf32, #tpu.memory_space<vmem>>, vector<16xf32>,
        %swap3A_728 = arith.constant 12 : i32
        %swap3A_729 = arith.index_cast %swap3A_728 : i32 to index
        %swap3A_730 = arith.index_cast %mul3A_584 : i32 to index
        %swap3A_731 = tpu.vector_load %arg19[%swap3A_729, %swap3A_730] {strides = array<i32>} : memref<32x1024xf32, #tpu.memory_space<vmem>>, vector<16xf32>,
        tpu.vector_store %arg19[%swap3A_729, %swap3A_730], %gather3A_636 {strides = array<i32>} : memref<32x1024xf32, #tpu.memory_space<vmem>>, vector<16xf32>,
        %swap3A_732 = arith.constant 13 : i32
        %swap3A_733 = arith.index_cast %swap3A_732 : i32 to index
        %swap3A_734 = arith.index_cast %mul3A_584 : i32 to index
        %swap3A_735 = tpu.vector_load %arg19[%swap3A_733, %swap3A_734] {strides = array<i32>} : memref<32x1024xf32, #tpu.memory_space<vmem>>, vector<16xf32>,
        tpu.vector_store %arg19[%swap3A_733, %swap3A_734], %gather3A_640 {strides = array<i32>} : memref<32x1024xf32, #tpu.memory_space<vmem>>, vector<16xf32>,
        %swap3A_736 = arith.constant 14 : i32
        %swap3A_737 = arith.index_cast %swap3A_736 : i32 to index
        %swap3A_738 = arith.index_cast %mul3A_584 : i32 to index
        %swap3A_739 = tpu.vector_load %arg19[%swap3A_737, %swap3A_738] {strides = array<i32>} : memref<32x1024xf32, #tpu.memory_space<vmem>>, vector<16xf32>,
        tpu.vector_store %arg19[%swap3A_737, %swap3A_738], %gather3A_644 {strides = array<i32>} : memref<32x1024xf32, #tpu.memory_space<vmem>>, vector<16xf32>,
        %swap3A_740 = arith.constant 15 : i32
        %swap3A_741 = arith.index_cast %swap3A_740 : i32 to index
        %swap3A_742 = arith.index_cast %mul3A_584 : i32 to index
        %swap3A_743 = tpu.vector_load %arg19[%swap3A_741, %swap3A_742] {strides = array<i32>} : memref<32x1024xf32, #tpu.memory_space<vmem>>, vector<16xf32>,
        tpu.vector_store %arg19[%swap3A_741, %swap3A_742], %gather3A_648 {strides = array<i32>} : memref<32x1024xf32, #tpu.memory_space<vmem>>, vector<16xf32>,
        %gather3A_744 = tpu.memref_slice %arg16[%mul3A_548] : memref<33792xf32, #tpu.memory_space<vmem>> -> memref<8448xf32, #tpu.memory_space<vmem>>
        %gather3A_745 = arith.constant 6336 : i32
        %gather3A_746 = tpu.memref_slice %gather3A_744[%gather3A_745] : memref<8448xf32, #tpu.memory_space<vmem>> -> memref<264xf32, #tpu.memory_space<vmem>>
        %gather3A_747 = tpu.vector_load_idx %gather3A_746[%get3A_585] : memref<264xf32, #tpu.memory_space<vmem>>[vector<16xi32>], vector<16xf32>,
        %gather3A_748 = tpu.memref_slice %arg16[%mul3A_548] : memref<33792xf32, #tpu.memory_space<vmem>> -> memref<8448xf32, #tpu.memory_space<vmem>>
        %gather3A_749 = arith.constant 6600 : i32
        %gather3A_750 = tpu.memref_slice %gather3A_748[%gather3A_749] : memref<8448xf32, #tpu.memory_space<vmem>> -> memref<264xf32, #tpu.memory_space<vmem>>
        %gather3A_751 = tpu.vector_load_idx %gather3A_750[%get3A_585] : memref<264xf32, #tpu.memory_space<vmem>>[vector<16xi32>], vector<16xf32>,
        %gather3A_752 = tpu.memref_slice %arg16[%mul3A_548] : memref<33792xf32, #tpu.memory_space<vmem>> -> memref<8448xf32, #tpu.memory_space<vmem>>
        %gather3A_753 = arith.constant 6864 : i32
        %gather3A_754 = tpu.memref_slice %gather3A_752[%gather3A_753] : memref<8448xf32, #tpu.memory_space<vmem>> -> memref<264xf32, #tpu.memory_space<vmem>>
        %gather3A_755 = tpu.vector_load_idx %gather3A_754[%get3A_585] : memref<264xf32, #tpu.memory_space<vmem>>[vector<16xi32>], vector<16xf32>,
        %gather3A_756 = tpu.memref_slice %arg16[%mul3A_548] : memref<33792xf32, #tpu.memory_space<vmem>> -> memref<8448xf32, #tpu.memory_space<vmem>>
        %gather3A_757 = arith.constant 7128 : i32
        %gather3A_758 = tpu.memref_slice %gather3A_756[%gather3A_757] : memref<8448xf32, #tpu.memory_space<vmem>> -> memref<264xf32, #tpu.memory_space<vmem>>
        %gather3A_759 = tpu.vector_load_idx %gather3A_758[%get3A_585] : memref<264xf32, #tpu.memory_space<vmem>>[vector<16xi32>], vector<16xf32>,
        %gather3A_760 = tpu.memref_slice %arg16[%mul3A_548] : memref<33792xf32, #tpu.memory_space<vmem>> -> memref<8448xf32, #tpu.memory_space<vmem>>
        %gather3A_761 = arith.constant 7392 : i32
        %gather3A_762 = tpu.memref_slice %gather3A_760[%gather3A_761] : memref<8448xf32, #tpu.memory_space<vmem>> -> memref<264xf32, #tpu.memory_space<vmem>>
        %gather3A_763 = tpu.vector_load_idx %gather3A_762[%get3A_585] : memref<264xf32, #tpu.memory_space<vmem>>[vector<16xi32>], vector<16xf32>,
        %gather3A_764 = tpu.memref_slice %arg16[%mul3A_548] : memref<33792xf32, #tpu.memory_space<vmem>> -> memref<8448xf32, #tpu.memory_space<vmem>>
        %gather3A_765 = arith.constant 7656 : i32
        %gather3A_766 = tpu.memref_slice %gather3A_764[%gather3A_765] : memref<8448xf32, #tpu.memory_space<vmem>> -> memref<264xf32, #tpu.memory_space<vmem>>
        %gather3A_767 = tpu.vector_load_idx %gather3A_766[%get3A_585] : memref<264xf32, #tpu.memory_space<vmem>>[vector<16xi32>], vector<16xf32>,
        %gather3A_768 = tpu.memref_slice %arg16[%mul3A_548] : memref<33792xf32, #tpu.memory_space<vmem>> -> memref<8448xf32, #tpu.memory_space<vmem>>
        %gather3A_769 = arith.constant 7920 : i32
        %gather3A_770 = tpu.memref_slice %gather3A_768[%gather3A_769] : memref<8448xf32, #tpu.memory_space<vmem>> -> memref<264xf32, #tpu.memory_space<vmem>>
        %gather3A_771 = tpu.vector_load_idx %gather3A_770[%get3A_585] : memref<264xf32, #tpu.memory_space<vmem>>[vector<16xi32>], vector<16xf32>,
        %gather3A_772 = tpu.memref_slice %arg16[%mul3A_548] : memref<33792xf32, #tpu.memory_space<vmem>> -> memref<8448xf32, #tpu.memory_space<vmem>>
        %gather3A_773 = arith.constant 8184 : i32
        %gather3A_774 = tpu.memref_slice %gather3A_772[%gather3A_773] : memref<8448xf32, #tpu.memory_space<vmem>> -> memref<264xf32, #tpu.memory_space<vmem>>
        %gather3A_775 = tpu.vector_load_idx %gather3A_774[%get3A_585] : memref<264xf32, #tpu.memory_space<vmem>>[vector<16xi32>], vector<16xf32>,
        %swap3A_776 = arith.constant 16 : i32
        %swap3A_777 = arith.index_cast %swap3A_776 : i32 to index
        %swap3A_778 = arith.index_cast %mul3A_584 : i32 to index
        %swap3A_779 = tpu.vector_load %arg19[%swap3A_777, %swap3A_778] {strides = array<i32>} : memref<32x1024xf32, #tpu.memory_space<vmem>>, vector<16xf32>,
        tpu.vector_store %arg19[%swap3A_777, %swap3A_778], %gather3A_683 {strides = array<i32>} : memref<32x1024xf32, #tpu.memory_space<vmem>>, vector<16xf32>,
        %swap3A_780 = arith.constant 17 : i32
        %swap3A_781 = arith.index_cast %swap3A_780 : i32 to index
        %swap3A_782 = arith.index_cast %mul3A_584 : i32 to index
        %swap3A_783 = tpu.vector_load %arg19[%swap3A_781, %swap3A_782] {strides = array<i32>} : memref<32x1024xf32, #tpu.memory_space<vmem>>, vector<16xf32>,
        tpu.vector_store %arg19[%swap3A_781, %swap3A_782], %gather3A_687 {strides = array<i32>} : memref<32x1024xf32, #tpu.memory_space<vmem>>, vector<16xf32>,
        %swap3A_784 = arith.constant 18 : i32
        %swap3A_785 = arith.index_cast %swap3A_784 : i32 to index
        %swap3A_786 = arith.index_cast %mul3A_584 : i32 to index
        %swap3A_787 = tpu.vector_load %arg19[%swap3A_785, %swap3A_786] {strides = array<i32>} : memref<32x1024xf32, #tpu.memory_space<vmem>>, vector<16xf32>,
        tpu.vector_store %arg19[%swap3A_785, %swap3A_786], %gather3A_691 {strides = array<i32>} : memref<32x1024xf32, #tpu.memory_space<vmem>>, vector<16xf32>,
        %swap3A_788 = arith.constant 19 : i32
        %swap3A_789 = arith.index_cast %swap3A_788 : i32 to index
        %swap3A_790 = arith.index_cast %mul3A_584 : i32 to index
        %swap3A_791 = tpu.vector_load %arg19[%swap3A_789, %swap3A_790] {strides = array<i32>} : memref<32x1024xf32, #tpu.memory_space<vmem>>, vector<16xf32>,
        tpu.vector_store %arg19[%swap3A_789, %swap3A_790], %gather3A_695 {strides = array<i32>} : memref<32x1024xf32, #tpu.memory_space<vmem>>, vector<16xf32>,
        %swap3A_792 = arith.constant 20 : i32
        %swap3A_793 = arith.index_cast %swap3A_792 : i32 to index
        %swap3A_794 = arith.index_cast %mul3A_584 : i32 to index
        %swap3A_795 = tpu.vector_load %arg19[%swap3A_793, %swap3A_794] {strides = array<i32>} : memref<32x1024xf32, #tpu.memory_space<vmem>>, vector<16xf32>,
        tpu.vector_store %arg19[%swap3A_793, %swap3A_794], %gather3A_699 {strides = array<i32>} : memref<32x1024xf32, #tpu.memory_space<vmem>>, vector<16xf32>,
        %swap3A_796 = arith.constant 21 : i32
        %swap3A_797 = arith.index_cast %swap3A_796 : i32 to index
        %swap3A_798 = arith.index_cast %mul3A_584 : i32 to index
        %swap3A_799 = tpu.vector_load %arg19[%swap3A_797, %swap3A_798] {strides = array<i32>} : memref<32x1024xf32, #tpu.memory_space<vmem>>, vector<16xf32>,
        tpu.vector_store %arg19[%swap3A_797, %swap3A_798], %gather3A_703 {strides = array<i32>} : memref<32x1024xf32, #tpu.memory_space<vmem>>, vector<16xf32>,
        %swap3A_800 = arith.constant 22 : i32
        %swap3A_801 = arith.index_cast %swap3A_800 : i32 to index
        %swap3A_802 = arith.index_cast %mul3A_584 : i32 to index
        %swap3A_803 = tpu.vector_load %arg19[%swap3A_801, %swap3A_802] {strides = array<i32>} : memref<32x1024xf32, #tpu.memory_space<vmem>>, vector<16xf32>,
        tpu.vector_store %arg19[%swap3A_801, %swap3A_802], %gather3A_707 {strides = array<i32>} : memref<32x1024xf32, #tpu.memory_space<vmem>>, vector<16xf32>,
        %swap3A_804 = arith.constant 23 : i32
        %swap3A_805 = arith.index_cast %swap3A_804 : i32 to index
        %swap3A_806 = arith.index_cast %mul3A_584 : i32 to index
        %swap3A_807 = tpu.vector_load %arg19[%swap3A_805, %swap3A_806] {strides = array<i32>} : memref<32x1024xf32, #tpu.memory_space<vmem>>, vector<16xf32>,
        tpu.vector_store %arg19[%swap3A_805, %swap3A_806], %gather3A_711 {strides = array<i32>} : memref<32x1024xf32, #tpu.memory_space<vmem>>, vector<16xf32>,
        %swap3A_808 = arith.constant 24 : i32
        %swap3A_809 = arith.index_cast %swap3A_808 : i32 to index
        %swap3A_810 = arith.index_cast %mul3A_584 : i32 to index
        %swap3A_811 = tpu.vector_load %arg19[%swap3A_809, %swap3A_810] {strides = array<i32>} : memref<32x1024xf32, #tpu.memory_space<vmem>>, vector<16xf32>,
        tpu.vector_store %arg19[%swap3A_809, %swap3A_810], %gather3A_747 {strides = array<i32>} : memref<32x1024xf32, #tpu.memory_space<vmem>>, vector<16xf32>,
        %swap3A_812 = arith.constant 25 : i32
        %swap3A_813 = arith.index_cast %swap3A_812 : i32 to index
        %swap3A_814 = arith.index_cast %mul3A_584 : i32 to index
        %swap3A_815 = tpu.vector_load %arg19[%swap3A_813, %swap3A_814] {strides = array<i32>} : memref<32x1024xf32, #tpu.memory_space<vmem>>, vector<16xf32>,
        tpu.vector_store %arg19[%swap3A_813, %swap3A_814], %gather3A_751 {strides = array<i32>} : memref<32x1024xf32, #tpu.memory_space<vmem>>, vector<16xf32>,
        %swap3A_816 = arith.constant 26 : i32
        %swap3A_817 = arith.index_cast %swap3A_816 : i32 to index
        %swap3A_818 = arith.index_cast %mul3A_584 : i32 to index
        %swap3A_819 = tpu.vector_load %arg19[%swap3A_817, %swap3A_818] {strides = array<i32>} : memref<32x1024xf32, #tpu.memory_space<vmem>>, vector<16xf32>,
        tpu.vector_store %arg19[%swap3A_817, %swap3A_818], %gather3A_755 {strides = array<i32>} : memref<32x1024xf32, #tpu.memory_space<vmem>>, vector<16xf32>,
        %swap3A_820 = arith.constant 27 : i32
        %swap3A_821 = arith.index_cast %swap3A_820 : i32 to index
        %swap3A_822 = arith.index_cast %mul3A_584 : i32 to index
        %swap3A_823 = tpu.vector_load %arg19[%swap3A_821, %swap3A_822] {strides = array<i32>} : memref<32x1024xf32, #tpu.memory_space<vmem>>, vector<16xf32>,
        tpu.vector_store %arg19[%swap3A_821, %swap3A_822], %gather3A_759 {strides = array<i32>} : memref<32x1024xf32, #tpu.memory_space<vmem>>, vector<16xf32>,
        %swap3A_824 = arith.constant 28 : i32
        %swap3A_825 = arith.index_cast %swap3A_824 : i32 to index
        %swap3A_826 = arith.index_cast %mul3A_584 : i32 to index
        %swap3A_827 = tpu.vector_load %arg19[%swap3A_825, %swap3A_826] {strides = array<i32>} : memref<32x1024xf32, #tpu.memory_space<vmem>>, vector<16xf32>,
        tpu.vector_store %arg19[%swap3A_825, %swap3A_826], %gather3A_763 {strides = array<i32>} : memref<32x1024xf32, #tpu.memory_space<vmem>>, vector<16xf32>,
        %swap3A_828 = arith.constant 29 : i32
        %swap3A_829 = arith.index_cast %swap3A_828 : i32 to index
        %swap3A_830 = arith.index_cast %mul3A_584 : i32 to index
        %swap3A_831 = tpu.vector_load %arg19[%swap3A_829, %swap3A_830] {strides = array<i32>} : memref<32x1024xf32, #tpu.memory_space<vmem>>, vector<16xf32>,
        tpu.vector_store %arg19[%swap3A_829, %swap3A_830], %gather3A_767 {strides = array<i32>} : memref<32x1024xf32, #tpu.memory_space<vmem>>, vector<16xf32>,
        %swap3A_832 = arith.constant 30 : i32
        %swap3A_833 = arith.index_cast %swap3A_832 : i32 to index
        %swap3A_834 = arith.index_cast %mul3A_584 : i32 to index
        %swap3A_835 = tpu.vector_load %arg19[%swap3A_833, %swap3A_834] {strides = array<i32>} : memref<32x1024xf32, #tpu.memory_space<vmem>>, vector<16xf32>,
        tpu.vector_store %arg19[%swap3A_833, %swap3A_834], %gather3A_771 {strides = array<i32>} : memref<32x1024xf32, #tpu.memory_space<vmem>>, vector<16xf32>,
        %swap3A_836 = arith.constant 31 : i32
        %swap3A_837 = arith.index_cast %swap3A_836 : i32 to index
        %swap3A_838 = arith.index_cast %mul3A_584 : i32 to index
        %swap3A_839 = tpu.vector_load %arg19[%swap3A_837, %swap3A_838] {strides = array<i32>} : memref<32x1024xf32, #tpu.memory_space<vmem>>, vector<16xf32>,
        tpu.vector_store %arg19[%swap3A_837, %swap3A_838], %gather3A_775 {strides = array<i32>} : memref<32x1024xf32, #tpu.memory_space<vmem>>, vector<16xf32>,
      }
      %scan3A_575 = arith.constant 64 : i32
      %dma_start3A_576 = arith.constant 0 : i32
      %dma_start3A_577 = tpu.memref_slice %arg12[%select_n3A_489, %select_n3A_503, %mul3A_521, %dma_start3A_576] : memref<20x20x64x1024xf32, #tpu.memory_space<hbm>> -> memref<1x1x32x1024xf32, #tpu.memory_space<hbm>>
      %dma_start3A_578 = tpu.memref_squeeze %dma_start3A_577 : memref<1x1x32x1024xf32, #tpu.memory_space<hbm>> -> memref<32x1024xf32, #tpu.memory_space<hbm>>
      %dma_start3A_579 = arith.constant 0 : i32
      %dma_start3A_580 = tpu.memref_slice %arg12[%select_n3A_489, %select_n3A_503, %mul3A_521, %dma_start3A_579] : memref<20x20x64x1024xf32, #tpu.memory_space<hbm>> -> memref<1x1x32x1024xf32, #tpu.memory_space<hbm>>
      %dma_start3A_581 = tpu.memref_squeeze %dma_start3A_580 : memref<1x1x32x1024xf32, #tpu.memory_space<hbm>> -> memref<32x1024xf32, #tpu.memory_space<hbm>>
      tpu.enqueue_dma source(%arg19 : memref<32x1024xf32, #tpu.memory_space<vmem>>) target(%dma_start3A_581 : memref<32x1024xf32, #tpu.memory_space<hbm>>) target_semaphore(%arg25 : memref<!tpu.dma_semaphore, #tpu.memory_space<semaphore_mem>>)
    }
    %scan3A_425 = arith.constant 25 : i32
    %dma_wait3A_426 = arith.constant 0 : i32
    %dma_wait3A_427 = arith.constant 0 : i32
    %dma_wait3A_428 = arith.constant 0 : i32
    %dma_wait3A_429 = arith.constant 0 : i32
    %dma_wait3A_430 = tpu.memref_slice %arg11[%dma_wait3A_426, %dma_wait3A_427, %dma_wait3A_428, %dma_wait3A_429] : memref<20x20x64x1024xf32, #tpu.memory_space<hbm>> -> memref<1x1x32x1024xf32, #tpu.memory_space<hbm>>
    %dma_wait3A_431 = tpu.memref_squeeze %dma_wait3A_430 : memref<1x1x32x1024xf32, #tpu.memory_space<hbm>> -> memref<32x1024xf32, #tpu.memory_space<hbm>>
    %dma_wait3A_432 = arith.constant 0 : i32
    %dma_wait3A_433 = arith.constant 0 : i32
    %dma_wait3A_434 = tpu.memref_slice %arg11[%dma_wait3A_426, %dma_wait3A_427, %dma_wait3A_432, %dma_wait3A_433] : memref<20x20x64x1024xf32, #tpu.memory_space<hbm>> -> memref<1x1x32x1024xf32, #tpu.memory_space<hbm>>
    %dma_wait3A_435 = tpu.memref_squeeze %dma_wait3A_434 : memref<1x1x32x1024xf32, #tpu.memory_space<hbm>> -> memref<32x1024xf32, #tpu.memory_space<hbm>>
    tpu.wait_dma2 semaphore(%arg24 : memref<!tpu.dma_semaphore, #tpu.memory_space<semaphore_mem>>) src(%arg18 : memref<32x1024xf32, #tpu.memory_space<vmem>>) dst(%dma_wait3A_435 : memref<32x1024xf32, #tpu.memory_space<hbm>>)
    %dma_wait3A_436 = arith.constant 0 : i32
    %dma_wait3A_437 = arith.constant 0 : i32
    %dma_wait3A_438 = arith.constant 0 : i32
    %dma_wait3A_439 = arith.constant 0 : i32
    %dma_wait3A_440 = tpu.memref_slice %arg12[%dma_wait3A_436, %dma_wait3A_437, %dma_wait3A_438, %dma_wait3A_439] : memref<20x20x64x1024xf32, #tpu.memory_space<hbm>> -> memref<1x1x32x1024xf32, #tpu.memory_space<hbm>>
    %dma_wait3A_441 = tpu.memref_squeeze %dma_wait3A_440 : memref<1x1x32x1024xf32, #tpu.memory_space<hbm>> -> memref<32x1024xf32, #tpu.memory_space<hbm>>
    %dma_wait3A_442 = arith.constant 0 : i32
    %dma_wait3A_443 = arith.constant 0 : i32
    %dma_wait3A_444 = tpu.memref_slice %arg12[%dma_wait3A_436, %dma_wait3A_437, %dma_wait3A_442, %dma_wait3A_443] : memref<20x20x64x1024xf32, #tpu.memory_space<hbm>> -> memref<1x1x32x1024xf32, #tpu.memory_space<hbm>>
    %dma_wait3A_445 = tpu.memref_squeeze %dma_wait3A_444 : memref<1x1x32x1024xf32, #tpu.memory_space<hbm>> -> memref<32x1024xf32, #tpu.memory_space<hbm>>
    tpu.wait_dma2 semaphore(%arg25 : memref<!tpu.dma_semaphore, #tpu.memory_space<semaphore_mem>>) src(%arg19 : memref<32x1024xf32, #tpu.memory_space<vmem>>) dst(%dma_wait3A_445 : memref<32x1024xf32, #tpu.memory_space<hbm>>)
    return
  }
}

module attributes {stable_mosaic.version = 14 : i64} {
  func.func @body(%arg0: i32, %arg1: memref<1024x128xf32, #tpu.memory_space<vmem>>, %arg2: memref<1x64xf32, #tpu.memory_space<vmem>>, %arg3: memref<1x64xf32, #tpu.memory_space<vmem>>, %arg4: memref<1x64x1024xf32, #tpu.memory_space<vmem>>) attributes {dimension_semantics = [#tpu.dimension_semantics<arbitrary>], iteration_bounds = array<i64: 20>, scalar_prefetch = 0 : i64, scratch_operands = 0 : i64, tpu.core_type = #tpu.core_type<tc>, window_params = [{transform_indices = @transform_0, window_bounds = array<i64: 1024, 128>}, {pipeline_mode = #tpu.pipeline_mode<synchronous>, transform_indices = @transform_1, window_bounds = array<i64: 1, 64>}, {pipeline_mode = #tpu.pipeline_mode<synchronous>, transform_indices = @transform_2, window_bounds = array<i64: 1, 64>}, {transform_indices = @transform_3, window_bounds = array<i64: 1, 64, 1024>}]} {
    %get3A = arith.constant 0 : index
    %get3A_0 = arith.constant 0 : index
    %get3A_1 = vector.load %arg1[%get3A, %get3A_0] : memref<1024x128xf32, #tpu.memory_space<vmem>>, vector<1024x64xf32>
    %reduce_sum3A = arith.constant dense<0.000000e+00> : vector<1024xf32>
    %reduce_sum3A_2 = vector.multi_reduction <add>, %get3A_1, %reduce_sum3A [1] : vector<1024x64xf32> to vector<1024xf32>
    %broadcast_in_dim3A = vector.shape_cast %reduce_sum3A_2 : vector<1024xf32> to vector<1024x1xf32>
    %div3A = arith.constant 6.400000e+01 : f32
    %div3A_3 = vector.broadcast %div3A : f32 to vector<1024x1xf32>
    %div3A_4 = arith.divf %broadcast_in_dim3A, %div3A_3 : vector<1024x1xf32>
    %sub3A = vector.broadcast %div3A_4 : vector<1024x1xf32> to vector<1024x64xf32>
    %sub3A_5 = arith.subf %get3A_1, %sub3A : vector<1024x64xf32>
    %mul3A = arith.mulf %sub3A_5, %sub3A_5 : vector<1024x64xf32>
    %reduce_sum3A_6 = arith.constant dense<0.000000e+00> : vector<1024xf32>
    %reduce_sum3A_7 = vector.multi_reduction <add>, %mul3A, %reduce_sum3A_6 [1] : vector<1024x64xf32> to vector<1024xf32>
    %broadcast_in_dim3A_8 = vector.shape_cast %reduce_sum3A_7 : vector<1024xf32> to vector<1024x1xf32>
    %div3A_9 = arith.constant 6.400000e+01 : f32
    %div3A_10 = vector.broadcast %div3A_9 : f32 to vector<1024x1xf32>
    %div3A_11 = arith.divf %broadcast_in_dim3A_8, %div3A_10 : vector<1024x1xf32>
    %get3A_12 = arith.constant 0 : index
    %get3A_13 = arith.constant 0 : index
    %get3A_14 = vector.load %arg2[%get3A_12, %get3A_13] : memref<1x64xf32, #tpu.memory_space<vmem>>, vector<1x64xf32>
    %add3A = arith.constant 9.99999996E-13 : f32
    %add3A_15 = vector.broadcast %add3A : f32 to vector<1024x1xf32>
    %add3A_16 = arith.addf %div3A_11, %add3A_15 : vector<1024x1xf32>
    %rsqrt3A = math.rsqrt %add3A_16 : vector<1024x1xf32>
    %mul3A_17 = vector.broadcast %rsqrt3A : vector<1024x1xf32> to vector<1024x64xf32>
    %mul3A_18 = arith.mulf %sub3A_5, %mul3A_17 : vector<1024x64xf32>
    %mul3A_19 = vector.broadcast %get3A_14 : vector<1x64xf32> to vector<1024x64xf32>
    %mul3A_20 = arith.mulf %mul3A_19, %mul3A_18 : vector<1024x64xf32>
    %get3A_21 = arith.constant 0 : index
    %get3A_22 = arith.constant 0 : index
    %get3A_23 = vector.load %arg3[%get3A_21, %get3A_22] : memref<1x64xf32, #tpu.memory_space<vmem>>, vector<1x64xf32>
    %add3A_24 = vector.broadcast %get3A_23 : vector<1x64xf32> to vector<1024x64xf32>
    %add3A_25 = arith.addf %mul3A_20, %add3A_24 : vector<1024x64xf32>
    %transpose3A = tpu.transpose %add3A_25, [1, 0] : vector<1024x64xf32> -> vector<64x1024xf32>
    %swap3A = arith.constant 0 : index
    %swap3A_26 = arith.constant 0 : index
    %swap3A_27 = arith.constant 0 : index
    %swap3A_28 = vector.load %arg4[%swap3A, %swap3A_26, %swap3A_27] : memref<1x64x1024xf32, #tpu.memory_space<vmem>>, vector<1x64x1024xf32>
    %swap3A_29 = vector.shape_cast %swap3A_28 : vector<1x64x1024xf32> to vector<64x1024xf32>
    %swap3A_30 = vector.shape_cast %transpose3A : vector<64x1024xf32> to vector<1x64x1024xf32>
    tpu.vector_store %arg4[%swap3A, %swap3A_26, %swap3A_27], %swap3A_30 {strides = array<i32>} : memref<1x64x1024xf32, #tpu.memory_space<vmem>>, vector<1x64x1024xf32>,
    return
  }
  func.func @transform_0(%arg0: i32) -> (i32, i32) {
    %c0_i32 = arith.constant 0 : i32
    %c0_i32_0 = arith.constant 0 : i32
    return %arg0, %c0_i32 : i32, i32
  }
  func.func @transform_1(%arg0: i32) -> (i32, i32) {
    %c0_i32 = arith.constant 0 : i32
    %c0_i32_0 = arith.constant 0 : i32
    %c0_i32_1 = arith.constant 0 : i32
    return %c0_i32, %c0_i32_0 : i32, i32
  }
  func.func @transform_2(%arg0: i32) -> (i32, i32) {
    %c0_i32 = arith.constant 0 : i32
    %c0_i32_0 = arith.constant 0 : i32
    %c0_i32_1 = arith.constant 0 : i32
    return %c0_i32, %c0_i32_0 : i32, i32
  }
  func.func @transform_3(%arg0: i32) -> (i32, i32, i32) {
    %c0_i32 = arith.constant 0 : i32
    %c0_i32_0 = arith.constant 0 : i32
    %c0_i32_1 = arith.constant 0 : i32
    return %arg0, %c0_i32, %c0_i32_0 : i32, i32, i32
  }
}

</mosaic_0001>

<sc_bundles>
// kernel: kernel.4.cloned.1.call-start
scs
__scs_entry_jumppad:
0x0: {  	(pc) =	sbr.rel $0x88, $3  }
0x1: {  	(tag) =	ssettag $0x0;
	lr =	simm.s32 $0x1  }
0x2: {  	[smem:$0x3F97] =	sst lr;
	_ =	strace $0xD0000000  }
0x3: {  	_ = 	snop  }
0x4: {  	_ = 	snop  }
0x5: {  	_ = 	snop  }
0x6: {  	_ = 	snop  }
0x7: {  	_ = 	snop  }
__scs_overlays_trampoline_lowered:
0x8: {  	[smem:$0x3FA6] =	sst s0  }
0x9: {  	[smem:$0x3FA7] =	sst s1  }
0xa: {  	[smem:$0x3FA8] =	sst s2  }
0xb: {  	[smem:$0x3FA9] =	sst s3  }
0xc: {  	[smem:$0x3FAA] =	sst s4  }
0xd: {  	[smem:$0x3FAB] =	sst s5  }
0xe: {  	[smem:$0x3FAC] =	sst s6  }
0xf: {  	[smem:$0x3FAD] =	sst s7  }
0x10: {  	[smem:$0x3FAE] =	sst s8  }
0x11: {  	[smem:$0x3FAF] =	sst s9;
	s0 =	simm.s32 @!p0 $0x0  }
0x12: {  	s1 =	sld [smem:$0x3F95];
	s0 =	simm.s32 @p0 $0x1  }
0x13: {  	[smem:$0x3FB0] =	sst s0;
	s0 =	simm.s32 @!p1 $0x0  }
0x14: {  	s2 =	sld [smem:$0x3F94];
	s0 =	simm.s32 @p1 $0x1  }
0x15: {  	[smem:$0x3FB1] =	sst s0;
	s0 =	simm.s32 @!p2 $0x0  }
0x16: {  	s3 =	sld [smem:$0x3FDB];
	s0 =	simm.s32 @p2 $0x1  }
0x17: {  	s4 =	simm.s32 $0x1BF5;
	[smem:$0x3FB3] =	sst s0  }
0x18: {  	s0 =	sld [smem:$0x3F96];
	_ =	swait.ge [sflag:s4], $0x0  }
0x19: {  	s7 =	sld [smem:$0x3F97]  }
0x1a: {  	s8 =	sadd.s32 $0xFFFFE003, lr  }
0x1b: {  	s9 =	sadd.s32 $0xFFFFFEF7, lr;
	s5 =	simm.s32 $0xFFFFFFFF;
	p2 =	slt.u32 s8, $0xFFFFF086  }
0x1c: {  	p1 =	slt.u32 s9, $0xF7A;
	s5 =	simm.s32 @!p2 $0x0  }
0x1d: {  	s5 =	simm.s32 @p1 $0x1;
	p0 =	seq.s32 s7, s2  }
0x1e: {  	s7 =	smul.u32 @!p0 $0xF7A, s2;
	p2 =	seq.s32 @!p0 s5, $0x0  }
0x1f: {  	s9 =	smul.u32 $0xF7A, s1;
	s8 =	simm.s32 @!p0 $0x1BF5;
	p2 =	por !p2, p0  }
0x20: {  	[sflag:s8] =	ssyncset.s32 @!p0 $0xFFFFF086;
	s6 =	sadd.s32 @!p0 s3, s7;
	s7 =	simm.s32 @!p0 $0x108  }
0x21: {  	s3 =	sadd.s32 s3, s9;
	s6 =	sadd.s32 @!p0 $0x88, s6;
	s7 =	simm.s32 @p2 $0x1082  }
0x22: {  	[simem:s7], [sflag:s8] =	dma.local @!p0 [hbm:s6], $0xF7A  }
0x23: {  	s9 =	sor.u32 $0xD0000000, s2;
	s6 =	simm.s32 $0x108;
	_ =	swait.ge @!p0 [sflag:s8], $0x0  }
0x24: {  	s3 =	sadd.s32 $0x88, s3;
	s6 =	simm.s32 @!p1 $0x1082;
	[sflag:s4] =	ssyncset.s32 $0xFFFFF086  }
0x25: {  	[simem:s6], [sflag:s4] =	dma.local [hbm:s3], $0xF7A  }
0x26: {  	[smem:$0x3F97] =	sst s1;
	(tag) =	ssettag s2;
	_ =	strace s9  }
0x27: {  	s1 =	sld [smem:$0x3FA7]  }
0x28: {  	s2 =	sld [smem:$0x3FA8]  }
0x29: {  	s4 =	sld [smem:$0x3FAA]  }
0x2a: {  	p0 =	seq.s32 s5, $0x0;
	s5 =	sld [smem:$0x3FAB]  }
0x2b: {  	s6 =	sld [smem:$0x3FAC]  }
0x2c: {  	s7 =	sld [smem:$0x3FAD]  }
0x2d: {  	s3 =	simm.s32 $0x108;
	s8 =	sld [smem:$0x3FAE]  }
0x2e: {  	s3 =	simm.s32 @!p0 $0x1082;
	s9 =	sld [smem:$0x3FAF]  }
0x2f: {  	lr =	sadd.s32 s0, s3;
	s0 =	sld [smem:$0x3FA6]  }
0x30: {  	s3 =	sld [smem:$0x3FA9]  }
0x31: {  	[smem:$0x3FB2] =	sst s10  }
0x32: {  	s10 =	sld [smem:$0x3FB0];
	_ =	sdelay $0x3  }
0x33: {  	p0 =	seq.s32 s10, $0x1;
	s10 =	sld [smem:$0x3FB2];
	_ =	sdelay $0x3  }
0x34: {  	[smem:$0x3FB2] =	sst s10  }
0x35: {  	s10 =	sld [smem:$0x3FB1];
	_ =	sdelay $0x3  }
0x36: {  	p1 =	seq.s32 s10, $0x1;
	s10 =	sld [smem:$0x3FB2];
	_ =	sdelay $0x3  }
0x37: {  	[smem:$0x3FB2] =	sst s10  }
0x38: {  	s10 =	sld [smem:$0x3FB3]  }
0x39: {  	_ = 	snop;
	(pc) =	sbr.ind lr, $3  }
0x3a: {  	_ = 	snop  }
0x3b: {  	_ = 	snop  }
0x3c: {  	p2 =	seq.s32 s10, $0x1;
	s10 =	sld [smem:$0x3FB2]  }
0x3d: {  	_ =	shalt  }
0x3e: {  	_ =	shalt  }
0x3f: {  	_ =	shalt  }
0x40: {  	_ =	shalt  }
0x41: {  	_ =	shalt  }
0x42: {  	_ =	shalt  }
0x43: {  	_ =	shalt  }
0x44: {  	_ =	shalt  }
0x45: {  	_ =	shalt  }
0x46: {  	_ =	shalt  }
0x47: {  	_ =	shalt  }
0x48: {  	_ =	shalt  }
0x49: {  	_ =	shalt  }
0x4a: {  	_ =	shalt  }
0x4b: {  	_ =	shalt  }
0x4c: {  	_ =	shalt  }
0x4d: {  	_ =	shalt  }
0x4e: {  	_ =	shalt  }
0x4f: {  	_ =	shalt  }
0x50: {  	_ =	shalt  }
0x51: {  	_ =	shalt  }
0x52: {  	_ =	shalt  }
0x53: {  	_ =	shalt  }
0x54: {  	_ =	shalt  }
0x55: {  	_ =	shalt  }
0x56: {  	_ =	shalt  }
0x57: {  	_ =	shalt  }
0x58: {  	_ =	shalt  }
0x59: {  	_ =	shalt  }
0x5a: {  	_ =	shalt  }
0x5b: {  	_ =	shalt  }
0x5c: {  	_ =	shalt  }
0x5d: {  	_ =	shalt  }
0x5e: {  	_ =	shalt  }
0x5f: {  	_ =	shalt  }
0x60: {  	_ =	shalt  }
0x61: {  	_ =	shalt  }
0x62: {  	_ =	shalt  }
0x63: {  	_ =	shalt  }
0x64: {  	_ =	shalt  }
0x65: {  	_ =	shalt  }
0x66: {  	_ =	shalt  }
0x67: {  	_ =	shalt  }
0x68: {  	_ =	shalt  }
0x69: {  	_ =	shalt  }
0x6a: {  	_ =	shalt  }
0x6b: {  	_ =	shalt  }
0x6c: {  	_ =	shalt  }
0x6d: {  	_ =	shalt  }
0x6e: {  	_ =	shalt  }
0x6f: {  	_ =	shalt  }
0x70: {  	_ =	shalt  }
0x71: {  	_ =	shalt  }
0x72: {  	_ =	shalt  }
0x73: {  	_ =	shalt  }
0x74: {  	_ =	shalt  }
0x75: {  	_ =	shalt  }
0x76: {  	_ =	shalt  }
0x77: {  	_ =	shalt  }
0x78: {  	_ =	shalt  }
0x79: {  	_ =	shalt  }
0x7a: {  	_ =	shalt  }
0x7b: {  	_ =	shalt  }
0x7c: {  	_ =	shalt  }
0x7d: {  	_ =	shalt  }
0x7e: {  	_ =	shalt  }
0x7f: {  	_ =	shalt  }
0x80: {  	_ =	shalt  }
0x81: {  	_ =	shalt  }
0x82: {  	_ =	shalt  }
0x83: {  	_ =	shalt  }
0x84: {  	_ =	shalt  }
0x85: {  	_ =	shalt  }
0x86: {  	_ =	shalt  }
0x87: {  	_ =	shalt  }
.Lfunc_end0:
.L_simem_size_0:
called_computation_lowered:
.L_overlay_start_0:
0x88: {  	s2 =	sld [smem:$0x3FD9]  }
0x89: {  	s3 =	sld [smem:$0x3FFE];
	_ =	sdelay $0x1  }
0x8a: {  	s1 =	srdreg.scid  }
0x8b: {  	s0 =	sand.u32 $0x1, s1  }
0x8c: {  	s14 =	sshll.u32 s0, $0xA;
	s2 =	sadd.s32 s3, s2  }
0x8d: {  	s2 =	sadd.s32 s2, s14  }
0x8e: {  	[smem:$0x3FBE] =	sst s2  }
0x8f: {  	_ = 	snop  }
0x90: {  	s2 =	sld [smem:$0x3FD0];
	_ =	sdelay $0x2  }
0x91: {  	s4 =	simm.s32 $0xA;
	s5 =	simm.s32 $0x10;
	s15 =	sld [smem:$0x3FC7]  }
0x92: {  	[smem:s5], [sflag:s4] =	dma.local [hbm:s2], $0x1  }
0x93: {  	_ =	swait.eq [sflag:s4], $0x1  }
0x94: {  	s16 =	sld [smem:$0x10];
	[sflag:s4] =	ssyncset.done $0x0  }
0x95: {  	s17 =	sld [smem:$0x11];
	[sflag:s4] =	ssyncadd.s32 $0xFFFFFFFF  }
0x96: {  	s18 =	sld [smem:$0x12];
	(tm) =	ssettm $0x1  }
0x97: {  	s6 =	sld [smem:$0x3FFB];
	_ =	sdelay $0x3  }
0x98: {  	_ =	strace s6  }
0x99: {  	s6 =	sld [smem:$0x3FFC];
	_ =	sdelay $0x3  }
0x9a: {  	_ =	strace s6  }
0x9b: {  	s6 =	sld [smem:$0x3FFD];
	_ =	sdelay $0x3  }
0x9c: {  	_ =	strace s6  }
0x9d: {  	_ =	strace $0x8FFFFFFF  }
0x9e: {  	s19 =	sld [smem:$0x3FDB];
	_ =	sdelay $0x1  }
0x9f: {  	s7 =	simm.s32 $_scs_section_size  }
0xa0: {  	s8 =	simm.s32 $_size__tile_overlayer_lowered;
	s9 =	simm.s32 $_tile_overlayer_lowered  }
0xa1: {  	s22 =	simm.s32 $0x1BFF;
	s21 =	sshll.u32 s9, $0x1;
	s6 =	sadd.s32 s7, s19  }
0xa2: {  	s10 =	simm.s32 $0x0;
	s20 =	sshll.u32 s8, $0x1;
	s8 =	sadd.s32 s21, s6  }
0xa3: {  	[timem:s10], [sflag:s22] =	dma.local [hbm:s8], s20  }
0xa4: {  	_ =	swait.ge [sflag:s22], s20  }
0xa5: {  	s7 =	ssub.s32 $0x0, s20;
	[sflag:s22] =	ssyncset.done $0x0  }
0xa6: {  	[sflag:s22] =	ssyncadd.s32 s7;
	_ =	sdelay $0x1  }
0xa7: {  	s23 =	simm.s32 $0x1B8B  }
0xa8: {  	_ =	swait.ge [sflag:s23], $0x1  }
0xa9: {  	[sflag:s23] =	ssyncset.done $0x0  }
0xaa: {  	s25 =	simm.s32 $0x1B8E;
	s24 =	sld [smem:$0x3FFE];
	[sflag:s23] =	ssyncadd.s32 $0xFFFFFFFF  }
0xab: {  	s26 =	simm.s32 $execute0_lowered;
	[smem:$0x3FD2] =	sst s25  }
0xac: {  	s8 =	sshll.u32 s26, $0x1;
	_ =	strace $0x80000046;
	[dreg:$0x1] =	wrdreg $0xFFFFFFFF  }
0xad: {  	s28 =	simm.s32 $_size_execute0_lowered;
	s6 =	sadd.s32 s6, s8;
	[dreg:$0x0] =	wrdreg $0x0  }
0xae: {  	s8 =	sshll.u32 s28, $0x1;
	[dreg:$0x2] =	wrdreg s6  }
0xaf: {  	[dreg:$0x3] =	wrdreg s8  }
0xb0: {  	[dreg:$0x4] =	wrdreg $0xC0  }
0xb1: {  	_ =	task [dreg:s10], $0x5FFFF  }
0xb2: {  	[dreg:$0x1] =	wrdreg $0xFFFFFFFF  }
0xb3: {  	[dreg:$0x0] =	wrdreg $0x60  }
0xb4: {  	[dreg:$0x2] =	wrdreg s24  }
0xb5: {  	[dreg:$0x3] =	wrdreg s15  }
0xb6: {  	[dreg:$0x4] =	wrdreg s16  }
0xb7: {  	[dreg:$0x5] =	wrdreg s17  }
0xb8: {  	[dreg:$0x6] =	wrdreg s18  }
0xb9: {  	[dreg:$0x7] =	wrdreg $0x9  }
0xba: {  	_ =	task.clear_ibuf [dreg:s10], $0x8FFFF;
	_ =	strace $0x90000046  }
0xbb: {  	s29 =	simm.s32 $0x9;
	_ =	strace $0x80000048  }
0xbc: {  	_ =	swait.ge [sflag:s29], $0x1  }
0xbd: {  	[sflag:s29] =	ssyncadd.s32 $0xFFFFFFFF  }
0xbe: {  	_ =	strace $0x90000048  }
0xbf: {  	_ =	sfence  }
0xc0: {  	s30 =	sld [smem:$0x0];
	_ =	sdelay $0x2  }
0xc1: {  	s31 =	sshll.u32 s1, $0xD;
	s1 =	sshrl.u32 s1, $0x2  }
0xc2: {  	s3 =	sand.u32 $0x4000, s31;
	s1 =	sadd.s32 s1, s30  }
0xc3: {  	s0 =	sor.u32 s3, s0;
	s1 =	sshll.u32 s1, $0x11  }
0xc4: {  	s0 =	sor.u32 s1, s0  }
0xc5: {  	s0 =	sadd.s32 $0x8F2B, s0  }
0xc6: {  	[sflag:s0] =	ssyncadd.remote.s32 $0x1  }
0xc7: {  	_ =	sfence.sel $0xFFFF  }
0xc8: {  	[dreg:$0x0] =	wrdreg $0xFFFFFFFF;
	(pc) =	sbr.abs _section_cstart, $3  }
0xc9: {  	[dreg:$0x1] =	wrdreg $0xFFFFFFFF  }
0xca: {  	_ =	task.clear_ibuf [dreg:s10], $0x2FFFF;
	_ =	strace $0x9FFFFFFF  }
0xcb: {  	(tm) =	ssettm $0x7FFFFFFF  }
tec
execute0_lowered:
.L_overlay_start_1:
0x0: {  	(tag) =	ssettag $0x1  }
0x1: {  	s0 =	rddreg [dreg:$0x0]  }
0x2: {  	s1 =	srdreg.scid;
	s2 =	stileid.u32  }
0x3: {  	s23 =	simm.s32 $0x0;
	s1 =	sand.u32 $0x1, s1;
	s2 =	sshll.u32 s2, $0x1  }
0x4: {  	[smem:$0x7FF] =	sst s23;
	s4 =	sadd.s32 $0x3400, s0;
	s15 =	sadd.s32 $0x1000, s0  }
0x5: {  	s16 =	sadd.s32 $0x1200, s0;
	s2 =	sor.u32 s1, s2;
	_ =	strace $0x80000047  }
0x6: {  	[dreg:$0x1d] =	wrdreg s4;
	s1 =	ssub.s32 $0x2, s1;
	s3 =	smul.u32 $0x50, s2  }
0x7: {  	[dreg:$0x1e] =	wrdreg s15;
	s17 =	sshrl.u32 s1, $0x1;
	s30 =	smul.u32 $0x19, s2  }
0x8: {  	[dreg:$0x1f] =	wrdreg s16;
	s1 =	ssub.s32 s1, s17  }
0x9: {  	s3 =	sadd.s32 s3, s0;
	[smem:$0x7FC] =	sst s30;
	s31 =	smax.u32 s1, $0x1  }
0xa: {  	s5 =	smul.u32 $0x14000, s2;
	s6 =	sadd.s32 $0x1600, s3;
	[smem:$0x7FD] =	sst s31  }
0xb: {  	s18 =	smul.u32 $0x2800, s2;
	s19 =	sadd.s32 $0x2A00, s3;
	[smem:$0x7EF] =	sst s6  }
0xc: {  	s0 =	sadd.s32 $0x189E00, s0;
	s3 =	sadd.s32 $0x2000, s3;
	[smem:$0x7F0] =	sst s19  }
0xd: {  	s5 =	sshrl.u32 s5, $0x3;
	s20 =	sadd.s32 s0, s18;
	[smem:$0x7F1] =	sst s3  }
0xe: {  	s0 =	sadd.s32 s0, s5;
	[smem:$0x7F2] =	sst s20;
	s3 =	sadd.s32 $0x400, s20  }
0xf: {  	s21 =	sadd.s32 $0x800, s0;
	[smem:$0x7F3] =	sst s3  }
0x10: {  	s22 =	sadd.s32 $0xC00, s0;
	[smem:$0x7F4] =	sst s21  }
0x11: {  	s24 =	sadd.s32 $0x1000, s0;
	[smem:$0x7F5] =	sst s22  }
0x12: {  	s25 =	sadd.s32 $0x1400, s0;
	[smem:$0x7F6] =	sst s24  }
0x13: {  	s26 =	sadd.s32 $0x1800, s0;
	[smem:$0x7F7] =	sst s25  }
0x14: {  	s28 =	sadd.s32 $0x1C00, s0;
	[smem:$0x7F8] =	sst s26  }
0x15: {  	s29 =	sadd.s32 $0x2000, s0;
	[smem:$0x7F9] =	sst s28  }
0x16: {  	s10 =	simm.s32 $0x3;
	s0 =	sadd.s32 $0x2400, s0;
	[smem:$0x7FA] =	sst s29  }
0x17: {  	s11 =	simm.s32 $0x4;
	s1 =	simm.s32 $0x0;
	[smem:$0x7FB] =	sst s0  }
.LBB2_1:
0x18: {  	s0 =	sld [smem:$0x7EF];
	_ =	sdelay $0x1  }
0x19: {  	[smem:$0x7EE] =	sst s1;
	s4 =	simm.s32 $0x5  }
0x1a: {  	[tilespmem:s23], [sflag:$0x5] =	stream.linear.gather [hbm4b:s0+s23], $0x280, $0x38;
	[tilespmem:$0x1CF80] =	vst v63  }
0x1b: {  	_ =	swait.ge [sflag:s4], $0x280  }
0x1c: {  	s28 =	sld [smem:$0x7F0]  }
0x1d: {  	[sflag:s4] =	ssyncset.done $0x0  }
0x1e: {  	s2 =	simm.s32 $0x280;
	[sflag:s4] =	ssyncadd.s32 $0xFFFFFD80  }
0x1f: {  	[tilespmem:s2], [sflag:$0x5] =	stream.linear.gather [hbm4b:s28+s23], $0x280, $0x38;
	[tilespmem:$0x1CF80] =	vst v63  }
0x20: {  	_ =	swait.ge [sflag:s4], $0x280  }
0x21: {  	s29 =	sld [smem:$0x7F1]  }
0x22: {  	[sflag:s4] =	ssyncset.done $0x0  }
0x23: {  	s3 =	simm.s32 $0x500;
	[sflag:s4] =	ssyncadd.s32 $0xFFFFFD80  }
0x24: {  	[tilespmem:s3], [sflag:$0x5] =	stream.linear.gather [hbm4b:s29+s23], $0x280, $0x38;
	[tilespmem:$0x1CF80] =	vst v63  }
0x25: {  	_ =	swait.ge [sflag:s4], $0x280  }
0x26: {  	s5 =	simm.s32 $0x40;
	s6 =	simm.s32 $0x18F80;
	[sflag:s4] =	ssyncset.done $0x0  }
0x27: {  	s7 =	simm.s32 $0x1;
	s0 =	rddreg [dreg:$0x1d];
	[sflag:s4] =	ssyncadd.s32 $0xFFFFFD80  }
0x28: {  	[tilespmem:s6], [sflag:$0x1] =	stream.indirect.gather [hbm4b:s0+s5], $0x80, s23, s5, $0xb8;
	[tilespmem:$0x1CF80] =	vst v63  }
0x29: {  	_ =	swait.ge [sflag:s7], $0x2000  }
0x2a: {  	[sflag:s7] =	ssyncset.done $0x0  }
0x2b: {  	s1 =	rddreg [dreg:$0x1e];
	[sflag:s7] =	ssyncadd.s32 $0xFFFFE000  }
0x2c: {  	[tilespmem:s6], [sflag:$0x1] =	stream.indirect.gather.add.f32 [hbm:s1], $0x80, s2, s5, $0xb8;
	[tilespmem:$0x1CF80] =	vst v63  }
0x2d: {  	s2 =	rddreg [dreg:$0x1f]  }
0x2e: {  	[tilespmem:s6], [sflag:$0x1] =	stream.indirect.gather.add.f32 [hbm:s2], $0x80, s3, s5, $0xb8;
	[tilespmem:$0x1CF80] =	vst v63  }
0x2f: {  	_ =	swait.ge [sflag:s7], $0x2000  }
0x30: {  	[sflag:s7] =	ssyncset.done $0x0  }
0x31: {  	[sflag:s7] =	ssyncadd.s32 $0xFFFFE000  }
0x32: {  	_ =	swait.ge [sflag:s7], $0x2000  }
0x33: {  	s30 =	sld [smem:$0x7F2]  }
0x34: {  	[sflag:s7] =	ssyncset.done $0x0  }
0x35: {  	[sflag:s7] =	ssyncadd.s32 $0xFFFFE000  }
0x36: {  	[hbm4b:s30+s23] =	stream.linear.scatter [tilespmem:s6], [sflag:$0x3], $0x2000, $0x38;
	[tilespmem:$0x1CF80] =	vst v63  }
0x37: {  	s8 =	simm.s32 $0x1AF80;
	s9 =	simm.s32 $0x2  }
0x38: {  	[tilespmem:s8], [sflag:$0x2] =	stream.indirect.gather [hbm4b:s0+s5], $0x80, s5, s5, $0xb8;
	[tilespmem:$0x1CF80] =	vst v63  }
0x39: {  	_ =	swait.ge [sflag:s9], $0x2000  }
0x3a: {  	[sflag:s9] =	ssyncset.done $0x0  }
0x3b: {  	s31 =	simm.s32 $0x2C0;
	[sflag:s9] =	ssyncadd.s32 $0xFFFFE000  }
0x3c: {  	[tilespmem:s8], [sflag:$0x2] =	stream.indirect.gather.add.f32 [hbm:s1], $0x80, s31, s5, $0xb8;
	[tilespmem:$0x1CF80] =	vst v63  }
0x3d: {  	s12 =	simm.s32 $0x540  }
0x3e: {  	[tilespmem:s8], [sflag:$0x2] =	stream.indirect.gather.add.f32 [hbm:s2], $0x80, s12, s5, $0xb8;
	[tilespmem:$0x1CF80] =	vst v63  }
0x3f: {  	_ =	swait.ge [sflag:s9], $0x2000  }
0x40: {  	[sflag:s9] =	ssyncset.done $0x0  }
0x41: {  	[sflag:s9] =	ssyncadd.s32 $0xFFFFE000  }
0x42: {  	_ =	swait.ge [sflag:s9], $0x2000  }
0x43: {  	s13 =	sld [smem:$0x7F3]  }
0x44: {  	[sflag:s9] =	ssyncset.done $0x0  }
0x45: {  	[sflag:s9] =	ssyncadd.s32 $0xFFFFE000  }
0x46: {  	[hbm4b:s13+s23] =	stream.linear.scatter [tilespmem:s8], [sflag:$0x4], $0x2000, $0x38;
	[tilespmem:$0x1CF80] =	vst v63  }
0x47: {  	_ =	swait.ge [sflag:s10], $0x2000  }
0x48: {  	[sflag:s10] =	ssyncset.done $0x0  }
0x49: {  	s14 =	simm.s32 $0x80;
	[sflag:s10] =	ssyncadd.s32 $0xFFFFE000  }
0x4a: {  	[tilespmem:s6], [sflag:$0x1] =	stream.indirect.gather [hbm4b:s0+s5], $0x80, s14, s5, $0xb8;
	[tilespmem:$0x1CF80] =	vst v63  }
0x4b: {  	_ =	swait.ge [sflag:s7], $0x2000  }
0x4c: {  	[sflag:s7] =	ssyncset.done $0x0  }
0x4d: {  	s15 =	simm.s32 $0x300;
	[sflag:s7] =	ssyncadd.s32 $0xFFFFE000  }
0x4e: {  	[tilespmem:s6], [sflag:$0x1] =	stream.indirect.gather.add.f32 [hbm:s1], $0x80, s15, s5, $0xb8;
	[tilespmem:$0x1CF80] =	vst v63  }
0x4f: {  	s16 =	simm.s32 $0x580  }
0x50: {  	[tilespmem:s6], [sflag:$0x1] =	stream.indirect.gather.add.f32 [hbm:s2], $0x80, s16, s5, $0xb8;
	[tilespmem:$0x1CF80] =	vst v63  }
0x51: {  	_ =	swait.ge [sflag:s7], $0x2000  }
0x52: {  	[sflag:s7] =	ssyncset.done $0x0  }
0x53: {  	[sflag:s7] =	ssyncadd.s32 $0xFFFFE000  }
0x54: {  	_ =	swait.ge [sflag:s7], $0x2000  }
0x55: {  	s17 =	sld [smem:$0x7F4]  }
0x56: {  	[sflag:s7] =	ssyncset.done $0x0  }
0x57: {  	[sflag:s7] =	ssyncadd.s32 $0xFFFFE000  }
0x58: {  	[hbm4b:s17+s23] =	stream.linear.scatter [tilespmem:s6], [sflag:$0x3], $0x2000, $0x38;
	[tilespmem:$0x1CF80] =	vst v63  }
0x59: {  	_ =	swait.ge [sflag:s11], $0x2000  }
0x5a: {  	[sflag:s11] =	ssyncset.done $0x0  }
0x5b: {  	s18 =	simm.s32 $0xC0;
	[sflag:s11] =	ssyncadd.s32 $0xFFFFE000  }
0x5c: {  	[tilespmem:s8], [sflag:$0x2] =	stream.indirect.gather [hbm4b:s0+s5], $0x80, s18, s5, $0xb8;
	[tilespmem:$0x1CF80] =	vst v63  }
0x5d: {  	_ =	swait.ge [sflag:s9], $0x2000  }
0x5e: {  	[sflag:s9] =	ssyncset.done $0x0  }
0x5f: {  	s19 =	simm.s32 $0x340;
	[sflag:s9] =	ssyncadd.s32 $0xFFFFE000  }
0x60: {  	[tilespmem:s8], [sflag:$0x2] =	stream.indirect.gather.add.f32 [hbm:s1], $0x80, s19, s5, $0xb8;
	[tilespmem:$0x1CF80] =	vst v63  }
0x61: {  	s20 =	simm.s32 $0x5C0  }
0x62: {  	[tilespmem:s8], [sflag:$0x2] =	stream.indirect.gather.add.f32 [hbm:s2], $0x80, s20, s5, $0xb8;
	[tilespmem:$0x1CF80] =	vst v63  }
0x63: {  	_ =	swait.ge [sflag:s9], $0x2000  }
0x64: {  	[sflag:s9] =	ssyncset.done $0x0  }
0x65: {  	[sflag:s9] =	ssyncadd.s32 $0xFFFFE000  }
0x66: {  	_ =	swait.ge [sflag:s9], $0x2000  }
0x67: {  	s21 =	sld [smem:$0x7F5]  }
0x68: {  	[sflag:s9] =	ssyncset.done $0x0  }
0x69: {  	[sflag:s9] =	ssyncadd.s32 $0xFFFFE000  }
0x6a: {  	[hbm4b:s21+s23] =	stream.linear.scatter [tilespmem:s8], [sflag:$0x4], $0x2000, $0x38;
	[tilespmem:$0x1CF80] =	vst v63  }
0x6b: {  	_ =	swait.ge [sflag:s10], $0x2000  }
0x6c: {  	[sflag:s10] =	ssyncset.done $0x0  }
0x6d: {  	s22 =	simm.s32 $0x100;
	[sflag:s10] =	ssyncadd.s32 $0xFFFFE000  }
0x6e: {  	[tilespmem:s6], [sflag:$0x1] =	stream.indirect.gather [hbm4b:s0+s5], $0x80, s22, s5, $0xb8;
	[tilespmem:$0x1CF80] =	vst v63  }
0x6f: {  	_ =	swait.ge [sflag:s7], $0x2000  }
0x70: {  	[sflag:s7] =	ssyncset.done $0x0  }
0x71: {  	s24 =	simm.s32 $0x380;
	[sflag:s7] =	ssyncadd.s32 $0xFFFFE000  }
0x72: {  	[tilespmem:s6], [sflag:$0x1] =	stream.indirect.gather.add.f32 [hbm:s1], $0x80, s24, s5, $0xb8;
	[tilespmem:$0x1CF80] =	vst v63  }
0x73: {  	s25 =	simm.s32 $0x600  }
0x74: {  	[tilespmem:s6], [sflag:$0x1] =	stream.indirect.gather.add.f32 [hbm:s2], $0x80, s25, s5, $0xb8;
	[tilespmem:$0x1CF80] =	vst v63  }
0x75: {  	_ =	swait.ge [sflag:s7], $0x2000  }
0x76: {  	[sflag:s7] =	ssyncset.done $0x0  }
0x77: {  	[sflag:s7] =	ssyncadd.s32 $0xFFFFE000  }
0x78: {  	_ =	swait.ge [sflag:s7], $0x2000  }
0x79: {  	s26 =	sld [smem:$0x7F6]  }
0x7a: {  	[sflag:s7] =	ssyncset.done $0x0  }
0x7b: {  	[sflag:s7] =	ssyncadd.s32 $0xFFFFE000  }
0x7c: {  	[hbm4b:s26+s23] =	stream.linear.scatter [tilespmem:s6], [sflag:$0x3], $0x2000, $0x38;
	[tilespmem:$0x1CF80] =	vst v63  }
0x7d: {  	_ =	swait.ge [sflag:s11], $0x2000  }
0x7e: {  	[sflag:s11] =	ssyncset.done $0x0  }
0x7f: {  	s28 =	simm.s32 $0x140;
	[sflag:s11] =	ssyncadd.s32 $0xFFFFE000  }
0x80: {  	[tilespmem:s8], [sflag:$0x2] =	stream.indirect.gather [hbm4b:s0+s5], $0x80, s28, s5, $0xb8;
	[tilespmem:$0x1CF80] =	vst v63  }
0x81: {  	_ =	swait.ge [sflag:s9], $0x2000  }
0x82: {  	[sflag:s9] =	ssyncset.done $0x0  }
0x83: {  	s29 =	simm.s32 $0x3C0;
	[sflag:s9] =	ssyncadd.s32 $0xFFFFE000  }
0x84: {  	[tilespmem:s8], [sflag:$0x2] =	stream.indirect.gather.add.f32 [hbm:s1], $0x80, s29, s5, $0xb8;
	[tilespmem:$0x1CF80] =	vst v63  }
0x85: {  	s30 =	simm.s32 $0x640  }
0x86: {  	[tilespmem:s8], [sflag:$0x2] =	stream.indirect.gather.add.f32 [hbm:s2], $0x80, s30, s5, $0xb8;
	[tilespmem:$0x1CF80] =	vst v63  }
0x87: {  	_ =	swait.ge [sflag:s9], $0x2000  }
0x88: {  	[sflag:s9] =	ssyncset.done $0x0  }
0x89: {  	[sflag:s9] =	ssyncadd.s32 $0xFFFFE000  }
0x8a: {  	_ =	swait.ge [sflag:s9], $0x2000  }
0x8b: {  	s31 =	sld [smem:$0x7F7]  }
0x8c: {  	[sflag:s9] =	ssyncset.done $0x0  }
0x8d: {  	[sflag:s9] =	ssyncadd.s32 $0xFFFFE000  }
0x8e: {  	[hbm4b:s31+s23] =	stream.linear.scatter [tilespmem:s8], [sflag:$0x4], $0x2000, $0x38;
	[tilespmem:$0x1CF80] =	vst v63  }
0x8f: {  	_ =	swait.ge [sflag:s10], $0x2000  }
0x90: {  	[sflag:s10] =	ssyncset.done $0x0  }
0x91: {  	s12 =	simm.s32 $0x180;
	[sflag:s10] =	ssyncadd.s32 $0xFFFFE000  }
0x92: {  	[tilespmem:s6], [sflag:$0x1] =	stream.indirect.gather [hbm4b:s0+s5], $0x80, s12, s5, $0xb8;
	[tilespmem:$0x1CF80] =	vst v63  }
0x93: {  	_ =	swait.ge [sflag:s7], $0x2000  }
0x94: {  	[sflag:s7] =	ssyncset.done $0x0  }
0x95: {  	s13 =	simm.s32 $0x400;
	[sflag:s7] =	ssyncadd.s32 $0xFFFFE000  }
0x96: {  	[tilespmem:s6], [sflag:$0x1] =	stream.indirect.gather.add.f32 [hbm:s1], $0x80, s13, s5, $0xb8;
	[tilespmem:$0x1CF80] =	vst v63  }
0x97: {  	s14 =	simm.s32 $0x680  }
0x98: {  	[tilespmem:s6], [sflag:$0x1] =	stream.indirect.gather.add.f32 [hbm:s2], $0x80, s14, s5, $0xb8;
	[tilespmem:$0x1CF80] =	vst v63  }
0x99: {  	_ =	swait.ge [sflag:s7], $0x2000  }
0x9a: {  	[sflag:s7] =	ssyncset.done $0x0  }
0x9b: {  	[sflag:s7] =	ssyncadd.s32 $0xFFFFE000  }
0x9c: {  	_ =	swait.ge [sflag:s7], $0x2000  }
0x9d: {  	s15 =	sld [smem:$0x7F8]  }
0x9e: {  	[sflag:s7] =	ssyncset.done $0x0  }
0x9f: {  	[sflag:s7] =	ssyncadd.s32 $0xFFFFE000  }
0xa0: {  	[hbm4b:s15+s23] =	stream.linear.scatter [tilespmem:s6], [sflag:$0x3], $0x2000, $0x38;
	[tilespmem:$0x1CF80] =	vst v63  }
0xa1: {  	_ =	swait.ge [sflag:s11], $0x2000  }
0xa2: {  	[sflag:s11] =	ssyncset.done $0x0  }
0xa3: {  	s16 =	simm.s32 $0x1C0;
	[sflag:s11] =	ssyncadd.s32 $0xFFFFE000  }
0xa4: {  	[tilespmem:s8], [sflag:$0x2] =	stream.indirect.gather [hbm4b:s0+s5], $0x80, s16, s5, $0xb8;
	[tilespmem:$0x1CF80] =	vst v63  }
0xa5: {  	_ =	swait.ge [sflag:s9], $0x2000  }
0xa6: {  	[sflag:s9] =	ssyncset.done $0x0  }
0xa7: {  	s17 =	simm.s32 $0x440;
	[sflag:s9] =	ssyncadd.s32 $0xFFFFE000  }
0xa8: {  	[tilespmem:s8], [sflag:$0x2] =	stream.indirect.gather.add.f32 [hbm:s1], $0x80, s17, s5, $0xb8;
	[tilespmem:$0x1CF80] =	vst v63  }
0xa9: {  	s18 =	simm.s32 $0x6C0  }
0xaa: {  	[tilespmem:s8], [sflag:$0x2] =	stream.indirect.gather.add.f32 [hbm:s2], $0x80, s18, s5, $0xb8;
	[tilespmem:$0x1CF80] =	vst v63  }
0xab: {  	_ =	swait.ge [sflag:s9], $0x2000  }
0xac: {  	[sflag:s9] =	ssyncset.done $0x0  }
0xad: {  	[sflag:s9] =	ssyncadd.s32 $0xFFFFE000  }
0xae: {  	_ =	swait.ge [sflag:s9], $0x2000  }
0xaf: {  	s19 =	sld [smem:$0x7F9]  }
0xb0: {  	[sflag:s9] =	ssyncset.done $0x0  }
0xb1: {  	[sflag:s9] =	ssyncadd.s32 $0xFFFFE000  }
0xb2: {  	[hbm4b:s19+s23] =	stream.linear.scatter [tilespmem:s8], [sflag:$0x4], $0x2000, $0x38;
	[tilespmem:$0x1CF80] =	vst v63  }
0xb3: {  	_ =	swait.ge [sflag:s10], $0x2000  }
0xb4: {  	[sflag:s10] =	ssyncset.done $0x0  }
0xb5: {  	s20 =	simm.s32 $0x200;
	[sflag:s10] =	ssyncadd.s32 $0xFFFFE000  }
0xb6: {  	[tilespmem:s6], [sflag:$0x1] =	stream.indirect.gather [hbm4b:s0+s5], $0x80, s20, s5, $0xb8;
	[tilespmem:$0x1CF80] =	vst v63  }
0xb7: {  	_ =	swait.ge [sflag:s7], $0x2000  }
0xb8: {  	[sflag:s7] =	ssyncset.done $0x0  }
0xb9: {  	s21 =	simm.s32 $0x480;
	[sflag:s7] =	ssyncadd.s32 $0xFFFFE000  }
0xba: {  	[tilespmem:s6], [sflag:$0x1] =	stream.indirect.gather.add.f32 [hbm:s1], $0x80, s21, s5, $0xb8;
	[tilespmem:$0x1CF80] =	vst v63  }
0xbb: {  	s22 =	simm.s32 $0x700  }
0xbc: {  	[tilespmem:s6], [sflag:$0x1] =	stream.indirect.gather.add.f32 [hbm:s2], $0x80, s22, s5, $0xb8;
	[tilespmem:$0x1CF80] =	vst v63  }
0xbd: {  	_ =	swait.ge [sflag:s7], $0x2000  }
0xbe: {  	[sflag:s7] =	ssyncset.done $0x0  }
0xbf: {  	[sflag:s7] =	ssyncadd.s32 $0xFFFFE000  }
0xc0: {  	_ =	swait.ge [sflag:s7], $0x2000  }
0xc1: {  	s24 =	sld [smem:$0x7FA]  }
0xc2: {  	[sflag:s7] =	ssyncset.done $0x0  }
0xc3: {  	[sflag:s7] =	ssyncadd.s32 $0xFFFFE000  }
0xc4: {  	[hbm4b:s24+s23] =	stream.linear.scatter [tilespmem:s6], [sflag:$0x3], $0x2000, $0x38;
	[tilespmem:$0x1CF80] =	vst v63  }
0xc5: {  	_ =	swait.ge [sflag:s11], $0x2000  }
0xc6: {  	[sflag:s11] =	ssyncset.done $0x0  }
0xc7: {  	s25 =	simm.s32 $0x240;
	[sflag:s11] =	ssyncadd.s32 $0xFFFFE000  }
0xc8: {  	[tilespmem:s8], [sflag:$0x2] =	stream.indirect.gather [hbm4b:s0+s5], $0x80, s25, s5, $0xb8;
	[tilespmem:$0x1CF80] =	vst v63  }
0xc9: {  	_ =	swait.ge [sflag:s9], $0x2000  }
0xca: {  	[sflag:s9] =	ssyncset.done $0x0  }
0xcb: {  	s26 =	simm.s32 $0x4C0;
	[sflag:s9] =	ssyncadd.s32 $0xFFFFE000  }
0xcc: {  	[tilespmem:s8], [sflag:$0x2] =	stream.indirect.gather.add.f32 [hbm:s1], $0x80, s26, s5, $0xb8;
	[tilespmem:$0x1CF80] =	vst v63  }
0xcd: {  	s28 =	simm.s32 $0x740  }
0xce: {  	[tilespmem:s8], [sflag:$0x2] =	stream.indirect.gather.add.f32 [hbm:s2], $0x80, s28, s5, $0xb8;
	[tilespmem:$0x1CF80] =	vst v63  }
0xcf: {  	_ =	swait.ge [sflag:s9], $0x2000  }
0xd0: {  	[sflag:s9] =	ssyncset.done $0x0  }
0xd1: {  	[sflag:s9] =	ssyncadd.s32 $0xFFFFE000  }
0xd2: {  	_ =	swait.ge [sflag:s9], $0x2000  }
0xd3: {  	s29 =	sld [smem:$0x7FB]  }
0xd4: {  	[sflag:s9] =	ssyncset.done $0x0  }
0xd5: {  	[sflag:s9] =	ssyncadd.s32 $0xFFFFE000  }
0xd6: {  	[hbm4b:s29+s23] =	stream.linear.scatter [tilespmem:s8], [sflag:$0x4], $0x2000, $0x38;
	[tilespmem:$0x1CF80] =	vst v63  }
0xd7: {  	s31 =	simm.s32 $0x780;
	s30 =	rddreg [dreg:$0x2]  }
0xd8: {  	[tilespmem:s31], [sflag:$0x5] =	stream.linear.gather [hbm4b:s30+s23], $0x8400, $0x38;
	[tilespmem:$0x1CF80] =	vst v63  }
0xd9: {  	_ =	swait.ge [sflag:s4], $0x8400  }
0xda: {  	[sflag:s4] =	ssyncset.done $0x0  }
0xdb: {  	[sflag:s4] =	ssyncadd.s32 $0xFFFF7C00  }
0xdc: {  	_ =	swait.ge [sflag:s10], $0x2000  }
0xdd: {  	[sflag:s10] =	ssyncset.done $0x0  }
0xde: {  	[sflag:s10] =	ssyncadd.s32 $0xFFFFE000  }
0xdf: {  	_ =	swait.ge [sflag:s11], $0x2000  }
0xe0: {  	[sflag:s11] =	ssyncset.done $0x0  }
0xe1: {  	s15 =	simm.s32 $0x0;
	[sflag:s11] =	ssyncadd.s32 $0xFFFFE000  }
.LBB2_2:
0xe2: {  	s0 =	sld [smem:$0x7FC];
	_ =	sdelay $0x2  }
0xe3: {  	s0 =	sadd.s32 s0, s15  }
0xe4: {  	s1 =	sshrl.u32 s0, $0x1  }
0xe5: {  	s3 =	smulhi.u32 $0x66666667, s1;
	_ =	sdelay $0x1  }
0xe6: {  	s4 =	smulhi.u32 $0xCCCCCCCD, s0;
	s3 =	sshrl.u32 s3, $0x3  }
0xe7: {  	p0 =	seq.s32 s15, $0x0;
	s17 =	sand.u32 $0x1, s0;
	s11 =	smul.u32 $0x14, s3  }
0xe8: {  	p1 =	sne.s32 @!p0 s17, $0x0  }
0xe9: {  	s2 =	sshrl.u32 s4, $0x5;
	p1 =	por p0, !p1;
	s18 =	ssub.s32 s1, s11  }
0xea: {  	s31 =	simm.s32 $0x0;
	s0 =	smul.u32 @p1 $0x6000, s2;
	s1 =	sshll.u32 @p1 s18, $0xA  }
0xeb: {  	s12 =	smul.u32 $0x8400, s17;
	s3 =	sshll.u32 @p1 s18, $0x7;
	s1 =	sand.u32 @p1 $0x6000, s1  }
0xec: {  	[smem:$0x7ED] =	sst s2;
	s0 =	sadd.s32 @p1 s0, s1;
	s1 =	sand.u32 @p1 $0x380, s3  }
0xed: {  	s4 =	simm.s32 @p1 $0x8B80;
	p2 =	seq.s32 @p1 s15, $0x0;
	s0 =	sor.u32 @p1 s1, s0  }
0xee: {  	s16 =	sshrl.u32 s12, $0x2;
	s1 =	rddreg [dreg:$0x1];
	s0 =	sshrl.u32 @p1 s0, $0x3  }
0xef: {  	s3 =	simm.s32 @p1 $0x400;
	s0 =	sadd.s32 @p1 s1, s0;
	s1 =	simm.s32 @p1 $0x80  }
0xf0: {  	[tilespmem:s4], [sflag:$0x5] =	stream.strided.gather @p1 [hbm4b:s0+s1], $0x400, s3, s1, $0x38;
	[tilespmem:$0x1CF80] =	vst v63  }
0xf1: {  	p2 =	por !p1, !p2;
	s13 =	sadd.s32 $0x888, s16;
	s0 =	simm.s32 @p1 $0x5  }
0xf2: {  	s14 =	sadd.s32 $0x990, s16;
	s19 =	sadd.s32 $0xA98, s16;
	_ =	swait.ge @p1 [sflag:s0], $0x400  }
0xf3: {  	s20 =	sadd.s32 $0xBA0, s16;
	s21 =	sadd.s32 $0xCA8, s16;
	[sflag:s0] =	ssyncset.done @p1 $0x0  }
0xf4: {  	s22 =	sadd.s32 $0xDB0, s16;
	[sflag:s0] =	ssyncadd.s32 @p1 $0xFFFFFC00;
	s0 =	simm.s32 @p2 $0x3  }
0xf5: {  	s23 =	sadd.s32 $0xEB8, s16;
	_ =	swait.ge @p2 [sflag:s0], $0x8000;
	[dreg:$0x7] =	wrdreg s13  }
0xf6: {  	s24 =	sadd.s32 $0xFC0, s16;
	s25 =	sadd.s32 $0x10C8, s16;
	[dreg:$0x8] =	wrdreg s14  }
0xf7: {  	s26 =	sadd.s32 $0x11D0, s16;
	s28 =	sadd.s32 $0x12D8, s16;
	[dreg:$0x9] =	wrdreg s19  }
0xf8: {  	s10 =	sadd.s32 $0x1C20, s16;
	s7 =	sadd.s32 $0x1D28, s16;
	[dreg:$0xa] =	wrdreg s20  }
0xf9: {  	s8 =	sadd.s32 $0x1E30, s16;
	s9 =	sadd.s32 $0x1F38, s16;
	[dreg:$0xb] =	wrdreg s21  }
0xfa: {  	s30 =	sadd.s32 $0x2040, s16;
	s29 =	sadd.s32 $0x2460, s16;
	[dreg:$0xc] =	wrdreg s22  }
0xfb: {  	s5 =	sadd.s32 $0x2568, s16;
	s12 =	sadd.s32 $0x2778, s16;
	[dreg:$0xd] =	wrdreg s23  }
0xfc: {  	s11 =	sadd.s32 $0x2670, s16;
	s3 =	sadd.s32 $0x2148, s16;
	[dreg:$0xe] =	wrdreg s24  }
0xfd: {  	s1 =	sadd.s32 $0x2250, s16;
	s4 =	sadd.s32 $0x2358, s16;
	[dreg:$0xf] =	wrdreg s25  }
0xfe: {  	[dreg:$0x10] =	wrdreg s26;
	s19 =	sadd.s32 $0x13E0, s16;
	s20 =	sadd.s32 $0x14E8, s16  }
0xff: {  	s21 =	sadd.s32 $0x15F0, s16;
	s22 =	sadd.s32 $0x16F8, s16;
	s24 =	sadd.s32 $0x1800, s16  }
0x100: {  	s13 =	sadd.s32 $0x1908, s16;
	s25 =	sadd.s32 $0x1A10, s16;
	[sflag:s0] =	ssyncset.done @p2 $0x0  }
0x101: {  	s14 =	sadd.s32 $0x1B18, s16;
	[sflag:s0] =	ssyncadd.s32 @p2 $0xFFFF8000;
	s0 =	sadd.s32 $0x780, s16  }
0x102: {  	s23 =	simm.s32 $0x0;
	[dreg:$0x6] =	wrdreg s0;
	s0 =	simm.s32 $0x8B80  }
.LBB2_3:
0x103: {  	v0 =	vld [tilespmem:s0+$0x0];
	_ =	sdelay $0x6  }
0x104: {  	s6 =	rddreg [dreg:$0x6]  }
0x105: {  	s2 =	rddreg [dreg:$0x7];
	v1 =	vld.idx.msk [tilespmem:v0+s6+$0x0], $0xffff  }
0x106: {  	s26 =	rddreg [dreg:$0x8];
	v2 =	vld.idx.msk [tilespmem:v0+s2+$0x0], $0xffff  }
0x107: {  	v3 =	vld.idx.msk [tilespmem:v0+s26+$0x0], $0xffff  }
0x108: {  	v12 =	vld.idx.msk [tilespmem:v0+s28+$0x0], $0xffff  }
0x109: {  	v13 =	vld.idx.msk [tilespmem:v0+s19+$0x0], $0xffff  }
0x10a: {  	v14 =	vld.idx.msk [tilespmem:v0+s20+$0x0], $0xffff  }
0x10b: {  	s6 =	rddreg [dreg:$0x9];
	v15 =	vld.idx.msk [tilespmem:v0+s21+$0x0], $0xffff  }
0x10c: {  	s2 =	rddreg [dreg:$0xa];
	v4 =	vld.idx.msk [tilespmem:v0+s6+$0x0], $0xffff  }
0x10d: {  	s26 =	rddreg [dreg:$0xb];
	v5 =	vld.idx.msk [tilespmem:v0+s2+$0x0], $0xffff  }
0x10e: {  	s6 =	rddreg [dreg:$0xc];
	v6 =	vld.idx.msk [tilespmem:v0+s26+$0x0], $0xffff  }
0x10f: {  	s2 =	rddreg [dreg:$0xd];
	v7 =	vld.idx.msk [tilespmem:v0+s6+$0x0], $0xffff  }
0x110: {  	s26 =	rddreg [dreg:$0xe];
	v8 =	vld.idx.msk [tilespmem:v0+s2+$0x0], $0xffff  }
0x111: {  	s6 =	rddreg [dreg:$0xf];
	v9 =	vld.idx.msk [tilespmem:v0+s26+$0x0], $0xffff  }
0x112: {  	s2 =	rddreg [dreg:$0x10];
	s26 =	sand.u32 $0x1C00, s31;
	v10 =	vld.idx.msk [tilespmem:v0+s6+$0x0], $0xffff;
	s6 =	sand.u32 $0x70, s23  }
0x113: {  	v11 =	vld.idx.msk [tilespmem:v0+s2+$0x0], $0xffff;
	s2 =	sor.u32 s6, s26  }
0x114: {  	v16 =	vld.idx.msk [tilespmem:v0+s22+$0x0], $0xffff;
	[tilespmem:s2+$0x8F80] =	vst v1  }
0x115: {  	[tilespmem:s2+$0x9000] =	vst v2  }
0x116: {  	[tilespmem:s2+$0x9080] =	vst v3  }
0x117: {  	[tilespmem:s2+$0x9100] =	vst v4  }
0x118: {  	[tilespmem:s2+$0x9180] =	vst v5  }
0x119: {  	s26 =	sor.u32 s31, s23;
	[tilespmem:s2+$0x9200] =	vst v6  }
0x11a: {  	s6 =	sor.u32 $0x380, s26;
	[tilespmem:s2+$0x9280] =	vst v7  }
0x11b: {  	[tilespmem:s6+$0x8F80] =	vst v8  }
0x11c: {  	v1 =	vld.idx.msk [tilespmem:v0+s24+$0x0], $0xffff  }
0x11d: {  	v2 =	vld.idx.msk [tilespmem:v0+s13+$0x0], $0xffff  }
0x11e: {  	v3 =	vld.idx.msk [tilespmem:v0+s25+$0x0], $0xffff  }
0x11f: {  	v4 =	vld.idx.msk [tilespmem:v0+s14+$0x0], $0xffff  }
0x120: {  	v5 =	vld.idx.msk [tilespmem:v0+s10+$0x0], $0xffff  }
0x121: {  	v6 =	vld.idx.msk [tilespmem:v0+s7+$0x0], $0xffff  }
0x122: {  	v7 =	vld.idx.msk [tilespmem:v0+s8+$0x0], $0xffff  }
0x123: {  	v8 =	vld.idx.msk [tilespmem:v0+s9+$0x0], $0xffff;
	[tilespmem:s2+$0xAF80] =	vst v9  }
0x124: {  	[tilespmem:s2+$0xB000] =	vst v10  }
0x125: {  	[tilespmem:s2+$0xB080] =	vst v11  }
0x126: {  	[tilespmem:s2+$0xB100] =	vst v12  }
0x127: {  	[tilespmem:s2+$0xB180] =	vst v13  }
0x128: {  	[tilespmem:s2+$0xB200] =	vst v14  }
0x129: {  	[tilespmem:s2+$0xB280] =	vst v15  }
0x12a: {  	[tilespmem:s2+$0xB300] =	vst v16  }
0x12b: {  	v9 =	vld.idx.msk [tilespmem:v0+s30+$0x0], $0xffff  }
0x12c: {  	v10 =	vld.idx.msk [tilespmem:v0+s3+$0x0], $0xffff  }
0x12d: {  	v11 =	vld.idx.msk [tilespmem:v0+s1+$0x0], $0xffff  }
0x12e: {  	v12 =	vld.idx.msk [tilespmem:v0+s4+$0x0], $0xffff  }
0x12f: {  	v13 =	vld.idx.msk [tilespmem:v0+s29+$0x0], $0xffff  }
0x130: {  	v14 =	vld.idx.msk [tilespmem:v0+s5+$0x0], $0xffff  }
0x131: {  	v15 =	vld.idx.msk [tilespmem:v0+s11+$0x0], $0xffff  }
0x132: {  	v0 =	vld.idx.msk [tilespmem:v0+s12+$0x0], $0xffff;
	[tilespmem:s2+$0xCF80] =	vst v1  }
0x133: {  	[tilespmem:s2+$0xD000] =	vst v2  }
0x134: {  	[tilespmem:s2+$0xD080] =	vst v3  }
0x135: {  	[tilespmem:s2+$0xD100] =	vst v4  }
0x136: {  	[tilespmem:s2+$0xD180] =	vst v5  }
0x137: {  	[tilespmem:s2+$0xD200] =	vst v6  }
0x138: {  	[tilespmem:s2+$0xD280] =	vst v7  }
0x139: {  	[tilespmem:s2+$0xD300] =	vst v8  }
0x13a: {  	[tilespmem:s2+$0xEF80] =	vst v9  }
0x13b: {  	[tilespmem:s2+$0xF000] =	vst v10  }
0x13c: {  	p1 =	sne.s32 s23, $0x3F0;
	[tilespmem:s2+$0xF080] =	vst v11  }
.Ltmp0:
0x13d: {  	[tilespmem:s2+$0xF100] =	vst v12;
	(pc) =	sbr.rel @p1 .LBB2_3-.Ltmp0, $4  }
0x13e: {  	[tilespmem:s2+$0xF180] =	vst v13  }
0x13f: {  	[tilespmem:s2+$0xF200] =	vst v14  }
0x140: {  	[tilespmem:s2+$0xF280] =	vst v15  }
0x141: {  	s0 =	sadd.s32 $0x10, s0;
	s31 =	sadd.s32 $0x80, s31;
	s23 =	sadd.s32 $0x10, s23;
	[tilespmem:s2+$0xF300] =	vst v0  }
0x142: {  	s0 =	sld [smem:$0x7ED];
	_ =	sdelay $0x2  }
0x143: {  	s0 =	smul.u32 $0x140000, s0  }
0x144: {  	s1 =	sshll.u32 s18, $0x10  }
0x145: {  	s10 =	sshll.u32 s17, $0xF;
	s0 =	sadd.s32 s0, s1  }
0x146: {  	s0 =	sor.u32 s10, s0  }
0x147: {  	s11 =	rddreg [dreg:$0x3];
	s17 =	sshrl.u32 s0, $0x3  }
0x148: {  	s23 =	simm.s32 $0x0;
	s12 =	simm.s32 $0x8F80;
	s0 =	sadd.s32 s11, s17  }
0x149: {  	[hbm4b:s0+s23] =	stream.linear.scatter [tilespmem:s12], [sflag:$0x3], $0x8000, $0x38;
	[tilespmem:$0x1CF80] =	vst v63  }
0x14a: {  	s13 =	sadd.s32 $0x4980, s16;
	s14 =	sadd.s32 $0x4A88, s16;
	s0 =	simm.s32 @!p0 $0x4  }
0x14b: {  	s18 =	sadd.s32 $0x4B90, s16;
	_ =	swait.ge @!p0 [sflag:s0], $0x8000;
	[dreg:$0x11] =	wrdreg s13  }
0x14c: {  	s19 =	sadd.s32 $0x4C98, s16;
	s20 =	sadd.s32 $0x4DA0, s16;
	[dreg:$0x12] =	wrdreg s14  }
0x14d: {  	s21 =	sadd.s32 $0x4EA8, s16;
	s22 =	sadd.s32 $0x4FB0, s16;
	[dreg:$0x13] =	wrdreg s18  }
0x14e: {  	s24 =	sadd.s32 $0x50B8, s16;
	s25 =	sadd.s32 $0x51C0, s16;
	[dreg:$0x14] =	wrdreg s19  }
0x14f: {  	s26 =	sadd.s32 $0x52C8, s16;
	s30 =	sadd.s32 $0x53D0, s16;
	[dreg:$0x15] =	wrdreg s20  }
0x150: {  	s31 =	sadd.s32 $0x54D8, s16;
	s7 =	sadd.s32 $0x6138, s16;
	[dreg:$0x16] =	wrdreg s21  }
0x151: {  	s8 =	sadd.s32 $0x6240, s16;
	s9 =	sadd.s32 $0x6348, s16;
	[dreg:$0x17] =	wrdreg s22  }
0x152: {  	s28 =	sadd.s32 $0x6450, s16;
	s3 =	sadd.s32 $0x6558, s16;
	[dreg:$0x18] =	wrdreg s24  }
0x153: {  	s4 =	sadd.s32 $0x6768, s16;
	s29 =	sadd.s32 $0x6870, s16;
	[dreg:$0x19] =	wrdreg s25  }
0x154: {  	s5 =	sadd.s32 $0x6978, s16;
	s1 =	sadd.s32 $0x6660, s16;
	[dreg:$0x1a] =	wrdreg s26  }
0x155: {  	s10 =	sadd.s32 $0x6030, s16;
	s11 =	simm.s32 $0x0;
	[dreg:$0x1b] =	wrdreg s30  }
0x156: {  	s12 =	simm.s32 $0x8B80;
	[dreg:$0x1c] =	wrdreg s31;
	s18 =	sadd.s32 $0x55E0, s16  }
0x157: {  	s26 =	sadd.s32 $0x56E8, s16;
	s19 =	sadd.s32 $0x57F0, s16;
	s20 =	sadd.s32 $0x58F8, s16  }
0x158: {  	s21 =	sadd.s32 $0x5A00, s16;
	s22 =	sadd.s32 $0x5B08, s16;
	s24 =	sadd.s32 $0x5C10, s16  }
0x159: {  	s13 =	sadd.s32 $0x5D18, s16;
	s25 =	sadd.s32 $0x5E20, s16;
	[sflag:s0] =	ssyncset.done @!p0 $0x0  }
0x15a: {  	s14 =	sadd.s32 $0x5F28, s16;
	s16 =	simm.s32 $0x0;
	[sflag:s0] =	ssyncadd.s32 @!p0 $0xFFFF8000  }
.LBB2_5:
0x15b: {  	v0 =	vld [tilespmem:s12+$0x0];
	_ =	sdelay $0x6  }
0x15c: {  	s0 =	rddreg [dreg:$0x11]  }
0x15d: {  	s2 =	rddreg [dreg:$0x12];
	v1 =	vld.idx.msk [tilespmem:v0+s0+$0x0], $0xffff  }
0x15e: {  	s6 =	rddreg [dreg:$0x13];
	v2 =	vld.idx.msk [tilespmem:v0+s2+$0x0], $0xffff  }
0x15f: {  	s30 =	rddreg [dreg:$0x15];
	v3 =	vld.idx.msk [tilespmem:v0+s6+$0x0], $0xffff  }
0x160: {  	s31 =	rddreg [dreg:$0x16];
	v5 =	vld.idx.msk [tilespmem:v0+s30+$0x0], $0xffff  }
0x161: {  	v6 =	vld.idx.msk [tilespmem:v0+s31+$0x0], $0xffff  }
0x162: {  	v13 =	vld.idx.msk [tilespmem:v0+s18+$0x0], $0xffff  }
0x163: {  	v14 =	vld.idx.msk [tilespmem:v0+s26+$0x0], $0xffff  }
0x164: {  	v15 =	vld.idx.msk [tilespmem:v0+s19+$0x0], $0xffff  }
0x165: {  	s0 =	rddreg [dreg:$0x14];
	v16 =	vld.idx.msk [tilespmem:v0+s20+$0x0], $0xffff  }
0x166: {  	s30 =	rddreg [dreg:$0x18];
	v4 =	vld.idx.msk [tilespmem:v0+s0+$0x0], $0xffff  }
0x167: {  	s0 =	rddreg [dreg:$0x17];
	v8 =	vld.idx.msk [tilespmem:v0+s30+$0x0], $0xffff  }
0x168: {  	s30 =	rddreg [dreg:$0x1b];
	v7 =	vld.idx.msk [tilespmem:v0+s0+$0x0], $0xffff  }
0x169: {  	s6 =	sand.u32 $0x70, s16;
	s0 =	rddreg [dreg:$0x1a];
	v11 =	vld.idx.msk [tilespmem:v0+s30+$0x0], $0xffff;
	s30 =	sand.u32 $0x1C00, s11  }
0x16a: {  	s31 =	rddreg [dreg:$0x19];
	v10 =	vld.idx.msk [tilespmem:v0+s0+$0x0], $0xffff;
	s0 =	sor.u32 s6, s30  }
0x16b: {  	v9 =	vld.idx.msk [tilespmem:v0+s31+$0x0], $0xffff;
	s31 =	rddreg [dreg:$0x1c];
	s2 =	sadd.s32 $0x10F80, s0  }
0x16c: {  	v12 =	vld.idx.msk [tilespmem:v0+s31+$0x0], $0xffff;
	[tilespmem:s2+$0x80] =	vst v2  }
0x16d: {  	[tilespmem:s2+$0x100] =	vst v3  }
0x16e: {  	[tilespmem:s2+$0x200] =	vst v5  }
0x16f: {  	[tilespmem:s2+$0x280] =	vst v6  }
0x170: {  	[tilespmem:s0+$0x10F80] =	vst v1  }
0x171: {  	s31 =	sor.u32 s11, s16;
	[tilespmem:s2+$0x180] =	vst v4  }
0x172: {  	[tilespmem:s2+$0x300] =	vst v7;
	s2 =	sor.u32 $0x380, s31  }
0x173: {  	[tilespmem:s2+$0x10F80] =	vst v8  }
0x174: {  	v1 =	vld.idx.msk [tilespmem:v0+s21+$0x0], $0xffff  }
0x175: {  	v2 =	vld.idx.msk [tilespmem:v0+s22+$0x0], $0xffff  }
0x176: {  	v3 =	vld.idx.msk [tilespmem:v0+s24+$0x0], $0xffff  }
0x177: {  	v4 =	vld.idx.msk [tilespmem:v0+s13+$0x0], $0xffff  }
0x178: {  	v5 =	vld.idx.msk [tilespmem:v0+s25+$0x0], $0xffff  }
0x179: {  	v6 =	vld.idx.msk [tilespmem:v0+s14+$0x0], $0xffff  }
0x17a: {  	v7 =	vld.idx.msk [tilespmem:v0+s10+$0x0], $0xffff  }
0x17b: {  	v8 =	vld.idx.msk [tilespmem:v0+s7+$0x0], $0xffff;
	[tilespmem:s0+$0x12F80] =	vst v9  }
0x17c: {  	[tilespmem:s0+$0x13000] =	vst v10  }
0x17d: {  	[tilespmem:s0+$0x13080] =	vst v11  }
0x17e: {  	[tilespmem:s0+$0x13100] =	vst v12  }
0x17f: {  	[tilespmem:s0+$0x13180] =	vst v13  }
0x180: {  	[tilespmem:s0+$0x13200] =	vst v14  }
0x181: {  	[tilespmem:s0+$0x13280] =	vst v15  }
0x182: {  	[tilespmem:s0+$0x13300] =	vst v16  }
0x183: {  	v9 =	vld.idx.msk [tilespmem:v0+s8+$0x0], $0xffff  }
0x184: {  	v10 =	vld.idx.msk [tilespmem:v0+s9+$0x0], $0xffff  }
0x185: {  	v11 =	vld.idx.msk [tilespmem:v0+s28+$0x0], $0xffff  }
0x186: {  	v12 =	vld.idx.msk [tilespmem:v0+s3+$0x0], $0xffff  }
0x187: {  	v13 =	vld.idx.msk [tilespmem:v0+s1+$0x0], $0xffff  }
0x188: {  	v14 =	vld.idx.msk [tilespmem:v0+s4+$0x0], $0xffff  }
0x189: {  	v15 =	vld.idx.msk [tilespmem:v0+s29+$0x0], $0xffff  }
0x18a: {  	v0 =	vld.idx.msk [tilespmem:v0+s5+$0x0], $0xffff;
	[tilespmem:s0+$0x14F80] =	vst v1  }
0x18b: {  	[tilespmem:s0+$0x15000] =	vst v2  }
0x18c: {  	[tilespmem:s0+$0x15080] =	vst v3  }
0x18d: {  	[tilespmem:s0+$0x15100] =	vst v4  }
0x18e: {  	[tilespmem:s0+$0x15180] =	vst v5  }
0x18f: {  	[tilespmem:s0+$0x15200] =	vst v6  }
0x190: {  	[tilespmem:s0+$0x15280] =	vst v7  }
0x191: {  	[tilespmem:s0+$0x15300] =	vst v8  }
0x192: {  	[tilespmem:s0+$0x16F80] =	vst v9  }
0x193: {  	[tilespmem:s0+$0x17000] =	vst v10  }
0x194: {  	p0 =	sne.s32 s16, $0x3F0;
	[tilespmem:s0+$0x17080] =	vst v11  }
.Ltmp1:
0x195: {  	[tilespmem:s0+$0x17100] =	vst v12;
	(pc) =	sbr.rel @p0 .LBB2_5-.Ltmp1, $4  }
0x196: {  	[tilespmem:s0+$0x17180] =	vst v13  }
0x197: {  	[tilespmem:s0+$0x17200] =	vst v14  }
0x198: {  	[tilespmem:s0+$0x17280] =	vst v15  }
0x199: {  	s12 =	sadd.s32 $0x10, s12;
	s11 =	sadd.s32 $0x80, s11;
	s16 =	sadd.s32 $0x10, s16;
	[tilespmem:s0+$0x17300] =	vst v0  }
0x19a: {  	s15 =	sadd.s32 $0x1, s15  }
0x19b: {  	p0 =	sne.s32 s15, $0x19  }
.Ltmp2:
0x19c: {  	_ = 	snop;
	(pc) =	sbr.rel @p0 .LBB2_2-.Ltmp2, $4  }
0x19d: {  	_ = 	snop  }
0x19e: {  	s0 =	rddreg [dreg:$0x4]  }
0x19f: {  	s1 =	simm.s32 $0x10F80;
	s0 =	sadd.s32 s0, s17  }
0x1a0: {  	[hbm4b:s0+s23] =	stream.linear.scatter [tilespmem:s1], [sflag:$0x4], $0x8000, $0x38;
	[tilespmem:$0x1CF80] =	vst v63  }
0x1a1: {  	s10 =	simm.s32 $0x3  }
0x1a2: {  	_ =	swait.ge [sflag:s10], $0x8000  }
0x1a3: {  	[sflag:s10] =	ssyncset.done $0x0  }
0x1a4: {  	s11 =	simm.s32 $0x4;
	[sflag:s10] =	ssyncadd.s32 $0xFFFF8000  }
0x1a5: {  	_ =	swait.ge [sflag:s11], $0x8000  }
0x1a6: {  	s1 =	sld [smem:$0x7EE]  }
0x1a7: {  	s0 =	sld [smem:$0x7FD];
	_ =	sdelay $0x1  }
0x1a8: {  	s1 =	sadd.s32 $0x1, s1  }
0x1a9: {  	p0 =	sne.s32 s1, s0  }
.Ltmp3:
0x1aa: {  	_ = 	snop;
	(pc) =	sbr.rel @p0 .LBB2_1-.Ltmp3, $3  }
0x1ab: {  	_ =	sdelay $0x1  }
0x1ac: {  	[sflag:s11] =	ssyncset.done $0x0  }
0x1ad: {  	[sflag:s11] =	ssyncadd.s32 $0xFFFF8000  }
0x1ae: {  	_ =	sfence.sel $0x180000  }
0x1af: {  	[bflag:$0x0] =	sbarrier.arrive $0xFFFF  }
0x1b0: {  	_ =	strace $0x90000047  }
0x1b1: {  	s0 =	stileid.u32;
	[bflag:$0x2] =	sbarrier.arrive $0xFFFF  }
0x1b2: {  	p0 =	sne.s32 s0, $0x0;
	s0 =	rddreg [dreg:$0x5]  }
0x1b3: {  	s0 =	sadd.s32 @!p0 $0x100000, s0  }
0x1b4: {  	[sflag:s0] =	ssyncadd.tile.s32 @!p0 $0x1;
	_ =	shalt  }
.Lfunc_end2:
_tile_overlayer_lowered:
.L_overlay_start_2:
0x1b5: {  	(tag) =	ssettag $0x2  }
0x1b6: {  	s0 =	rddreg [dreg:$0x0];
	s2 =	stileid.u32  }
0x1b7: {  	s1 =	rddreg [dreg:$0x1];
	p0 =	sne.s32 s2, $0x0  }
0x1b8: {  	s3 =	rddreg [dreg:$0x2];
	[bflag:$0x3] =	sbarrier.arrive $0xFFFF;
	s2 =	simm.s32 @!p0 $0x1C05  }
0x1b9: {  	[timem:s3], [sflag:s2] =	dma.local @!p0 [hbm:s0], s1  }
0x1ba: {  	s0 =	simm.s32 @!p0 $0x5  }
0x1bb: {  	_ =	swait.ge @!p0 [sflag:s0], s1  }
0x1bc: {  	s1 =	ssub.s32 @!p0 $0x0, s1;
	[sflag:s0] =	ssyncset.done @!p0 $0x0  }
0x1bd: {  	[sflag:s0] =	ssyncadd.s32 @!p0 s1  }
0x1be: {  	[bflag:$0x3] =	sbarrier.arrive $0xFFFF  }
0x1bf: {  	_ =	shalt  }

</sc_bundles>
